<compile_context>
chip_gen: v7x
topology: tpu7x:2x2x1
jax: 0.10.2.dev20260603
libtpu: 0.0.44.dev20260713+nightly
codegen_flags: <defaults>
</compile_context>

<pallas_src>
import functools

import jax
import jax.numpy as jnp
from jax import lax
from jax.experimental import pallas as pl
from jax.experimental.pallas import tpu as pltpu
from jax.experimental.pallas import tpu_sc as plsc

N_TOKENS = 4096
D_MODEL = 1024
N_LEAF = 8
DEC_BLOCK = 1024
GM_BLOCK = 1024
NB = N_TOKENS // GM_BLOCK
NSTEPS = NB + N_LEAF - 1


def _dec_body(x_ref, wbT_ref, bb_ref, leaf_ref, rank_ref, counts_ref, offs_ref, carry):
    i = pl.program_id(0)

    @pl.when(i == 0)
    def _():
        carry[...] = jnp.zeros_like(carry)

    x = x_ref[...]
    lg = jnp.dot(x, wbT_ref[...], preferred_element_type=jnp.float32)
    lg = lg + bb_ref[...]
    s = jnp.where(lg > 0, 1.0, 0.0)
    col = lax.broadcasted_iota(jnp.int32, lg.shape, 1)

    def c(k):
        return jnp.sum(jnp.where(col == k, s, 0.0), axis=1, keepdims=True)

    c0, c1, c2, c3, c4, c5, c6 = (c(k) for k in range(7))
    b0 = c0
    b1 = b0 * c2 + (1.0 - b0) * c1
    b2 = b0 * (b1 * c6 + (1.0 - b1) * c5) + (1.0 - b0) * (b1 * c4 + (1.0 - b1) * c3)
    leaf_f = 4.0 * b0 + 2.0 * b1 + b2
    leaf_ref[...] = leaf_f.astype(jnp.int32)

    f0 = ((col >> 2) & 1).astype(jnp.float32)
    f1 = ((col >> 1) & 1).astype(jnp.float32)
    f2 = (col & 1).astype(jnp.float32)
    valid = (col < N_LEAF).astype(jnp.float32)
    oh = (
        valid
        * (b0 * f0 + (1.0 - b0) * (1.0 - f0))
        * (b1 * f1 + (1.0 - b1) * (1.0 - f1))
        * (b2 * f2 + (1.0 - b2) * (1.0 - f2))
    )
    rowi = lax.broadcasted_iota(jnp.int32, (DEC_BLOCK, DEC_BLOCK), 0)
    colj = lax.broadcasted_iota(jnp.int32, (DEC_BLOCK, DEC_BLOCK), 1)
    ls = (colj < rowi).astype(jnp.float32)
    pref = jnp.dot(ls, oh, preferred_element_type=jnp.float32)
    rank = jnp.sum((pref + carry[...]) * oh, axis=1, keepdims=True)
    rank_ref[...] = rank.astype(jnp.int32)
    carry[...] = carry[...] + jnp.sum(oh, axis=0, keepdims=True)
    counts_ref[...] = carry[...].astype(jnp.int32)
    ui = lax.broadcasted_iota(jnp.int32, (128, 128), 0)
    uj = lax.broadcasted_iota(jnp.int32, (128, 128), 1)
    ut = (ui < uj).astype(jnp.float32)
    offs = jnp.dot(carry[...], ut, preferred_element_type=jnp.float32,
                   precision=lax.Precision.HIGHEST)
    offs_ref[...] = offs.astype(jnp.int32)


def _decide(xs, w_branch, b_branch):
    wbT = jnp.zeros((D_MODEL, 128), xs.dtype).at[:, :7].set(w_branch.T)
    bb = jnp.zeros((1, 128), xs.dtype).at[0, :7].set(b_branch)
    leaf, rank, counts, offs = pl.pallas_call(
        _dec_body,
        grid=(N_TOKENS // DEC_BLOCK,),
        in_specs=[
            pl.BlockSpec((DEC_BLOCK, D_MODEL), lambda i: (i, 0)),
            pl.BlockSpec((D_MODEL, 128), lambda i: (0, 0)),
            pl.BlockSpec((1, 128), lambda i: (0, 0)),
        ],
        out_specs=[
            pl.BlockSpec((DEC_BLOCK, 1), lambda i: (i, 0)),
            pl.BlockSpec((DEC_BLOCK, 1), lambda i: (i, 0)),
            pl.BlockSpec((1, 128), lambda i: (0, 0)),
            pl.BlockSpec((1, 128), lambda i: (0, 0)),
        ],
        out_shape=[
            jax.ShapeDtypeStruct((N_TOKENS, 1), jnp.int32),
            jax.ShapeDtypeStruct((N_TOKENS, 1), jnp.int32),
            jax.ShapeDtypeStruct((1, 128), jnp.int32),
            jax.ShapeDtypeStruct((1, 128), jnp.int32),
        ],
        scratch_shapes=[pltpu.VMEM((1, 128), jnp.float32)],
        compiler_params=pltpu.CompilerParams(
            dimension_semantics=("arbitrary",),
        ),
    )(xs, wbT, bb)
    return leaf.reshape(N_TOKENS), rank.reshape(N_TOKENS), counts, offs


def _make_scatter():
    info = plsc.get_sparse_core_info()
    nc, ns = info.num_cores, info.num_subcores
    nw = nc * ns
    rows_per_w = N_TOKENS // nw
    ch = 32
    n_ch = rows_per_w // ch
    mesh = plsc.VectorSubcoreMesh(core_axis_name="c", subcore_axis_name="s")

    @functools.partial(
        pl.kernel,
        mesh=mesh,
        out_type=(
            jax.ShapeDtypeStruct((N_TOKENS, D_MODEL), jnp.float32),
            jax.ShapeDtypeStruct((N_TOKENS,), jnp.int32),
        ),
        scratch_types=[
            pltpu.VMEM((2, ch), jnp.int32),
            pltpu.VMEM((2, ch, D_MODEL), jnp.float32),
            pltpu.VMEM((1, 128), jnp.int32),
            pltpu.VMEM((16,), jnp.int32),
            pltpu.VMEM((rows_per_w,), jnp.int32),
            pltpu.VMEM((rows_per_w,), jnp.int32),
            pltpu.SemaphoreType.DMA((2,)),
            pltpu.SemaphoreType.DMA((2,)),
        ],
        compiler_params=pltpu.CompilerParams(needs_layout_passes=False),
    )
    def scatter_k(xs_hbm, leaf_hbm, rank_hbm, offs_hbm, out_hbm, pos_hbm,
                  idx_v, buf, cnt_v, off_t, leaf_v, pos_v, in_sem, out_sem):
        wid = lax.axis_index("s") * nc + lax.axis_index("c")
        base = wid * rows_per_w

        def in_args(j):
            slot = j % 2
            off = base + j * ch
            return xs_hbm.at[pl.ds(off, ch)], buf.at[slot], in_sem.at[slot]

        def out_args(j):
            slot = j % 2
            return buf.at[slot], out_hbm.at[idx_v.at[slot]], out_sem.at[slot]

        pltpu.async_copy(*in_args(0))
        if n_ch > 1:
            pltpu.async_copy(*in_args(1))

        pltpu.sync_copy(offs_hbm, cnt_v)
        off_t[...] = cnt_v[0, pl.ds(0, 16)]
        pltpu.sync_copy(leaf_hbm.at[pl.ds(base, rows_per_w)], leaf_v)
        pltpu.sync_copy(rank_hbm.at[pl.ds(base, rows_per_w)], pos_v)
        for k in range(rows_per_w // 16):
            lv = leaf_v[pl.ds(16 * k, 16)]
            rv = pos_v[pl.ds(16 * k, 16)]
            pos_v[pl.ds(16 * k, 16)] = plsc.load_gather(off_t, [lv]) + rv
        pltpu.sync_copy(pos_v, pos_hbm.at[pl.ds(base, rows_per_w)])

        for j in range(n_ch):
            slot = j % 2
            for k in range(ch // 16):
                idx_v[slot, pl.ds(16 * k, 16)] = pos_v[pl.ds(j * ch + 16 * k, 16)]
            pltpu.make_async_copy(*in_args(j)).wait()
            pltpu.async_copy(*out_args(j))
            if j + 2 < n_ch:
                pltpu.make_async_copy(*out_args(j)).wait()
                pltpu.async_copy(*in_args(j + 2))
        for j in range(max(n_ch - 2, 0), n_ch):
            pltpu.make_async_copy(*out_args(j)).wait()

    return scatter_k


def _make_gather():
    info = plsc.get_sparse_core_info()
    nc, ns = info.num_cores, info.num_subcores
    nw = nc * ns
    rows_per_w = N_TOKENS // nw
    ch = 32
    n_ch = rows_per_w // ch
    mesh = plsc.VectorSubcoreMesh(core_axis_name="c", subcore_axis_name="s")

    @functools.partial(
        pl.kernel,
        mesh=mesh,
        out_type=jax.ShapeDtypeStruct((N_TOKENS, D_MODEL), jnp.float32),
        scratch_types=[
            pltpu.VMEM((rows_per_w,), jnp.int32),
            pltpu.VMEM((2, ch, D_MODEL), jnp.float32),
            pltpu.SemaphoreType.DMA((2,)),
            pltpu.SemaphoreType.DMA((2,)),
        ],
        compiler_params=pltpu.CompilerParams(needs_layout_passes=False),
    )
    def gather_k(table_hbm, idx_hbm, out_hbm, idx_v, buf, in_sem, out_sem):
        wid = lax.axis_index("s") * nc + lax.axis_index("c")
        base = wid * rows_per_w
        pltpu.sync_copy(idx_hbm.at[pl.ds(base, rows_per_w)], idx_v)

        def in_args(j):
            slot = j % 2
            return (table_hbm.at[idx_v.at[pl.ds(j * ch, ch)]], buf.at[slot],
                    in_sem.at[slot])

        def out_args(j):
            slot = j % 2
            off = base + j * ch
            return buf.at[slot], out_hbm.at[pl.ds(off, ch)], out_sem.at[slot]

        def start_in(j):
            pltpu.async_copy(*in_args(j))

        start_in(0)
        for j in range(n_ch):
            if j + 1 < n_ch:
                if j >= 1:
                    pltpu.make_async_copy(*out_args(j - 1)).wait()
                start_in(j + 1)
            pltpu.make_async_copy(*in_args(j)).wait()
            pltpu.async_copy(*out_args(j))
        for j in range(max(n_ch - 2, 0), n_ch):
            pltpu.make_async_copy(*out_args(j)).wait()

    return gather_k


_sc_cache = {}


def _sc(name):
    if name not in _sc_cache:
        _sc_cache[name] = _make_scatter() if name == "scatter" else _make_gather()
    return _sc_cache[name]


def _group_metadata(counts):
    o = jnp.concatenate([jnp.zeros((1,), jnp.int32), jnp.cumsum(counts)])
    fb = o[:-1] // GM_BLOCK
    lb = (o[1:] + GM_BLOCK - 1) // GM_BLOCK - 1
    nb = jnp.where(counts > 0, lb - fb + 1, 0)
    csteps = jnp.cumsum(nb)
    sb = csteps - nb
    total = csteps[-1]
    s_arr = jnp.arange(NSTEPS, dtype=jnp.int32)
    lid = jnp.sum((csteps[None, :] <= s_arr[:, None]).astype(jnp.int32), axis=1)
    valid = s_arr < total
    lid_c = jnp.clip(lid, 0, N_LEAF - 1)
    oh = (lid_c[:, None] == jnp.arange(N_LEAF, dtype=jnp.int32)[None, :]).astype(
        jnp.int32
    )

    def pick(tbl):
        return jnp.sum(oh * tbl[None, :], axis=1)

    bid = pick(fb) + s_arr - pick(sb)
    is_last = (s_arr == total - 1).astype(jnp.int32)
    last_lid = jnp.sum(is_last * lid_c)
    last_bid = jnp.sum(is_last * bid)
    lid_f = jnp.where(valid, lid_c, last_lid)
    bid_f = jnp.where(valid, bid, last_bid)
    startg = jnp.maximum(pick(o[:-1]), bid_f * GM_BLOCK)
    endg = jnp.minimum(pick(o[1:]), (bid_f + 1) * GM_BLOCK)
    st = jnp.where(valid, startg - bid_f * GM_BLOCK, 0)
    en = jnp.where(valid, endg - bid_f * GM_BLOCK, 0)
    return jnp.stack([bid_f, lid_f, st, en]).astype(jnp.int32)


def _gm_body(meta_ref, x_ref, W_ref, bl_ref, o_ref):
    s = pl.program_id(0)
    st = meta_ref[2, s]
    en = meta_ref[3, s]
    bid = meta_ref[0, s]
    prev_bid = meta_ref[0, jnp.maximum(s - 1, 0)]
    first = jnp.logical_or(s == 0, bid != prev_bid)
    y = jnp.dot(x_ref[...], W_ref[0], preferred_element_type=jnp.float32) + bl_ref[0]
    row = lax.broadcasted_iota(jnp.int32, (GM_BLOCK, 1), 0)
    m = jnp.logical_and(row >= st, row < en)
    prev = jnp.where(first, 0.0, o_ref[...])
    o_ref[...] = prev + jnp.where(m, y, 0.0)


def _grouped_matmul(xs_sorted, W_leaf, b_leaf, meta):
    grid_spec = pltpu.PrefetchScalarGridSpec(
        num_scalar_prefetch=1,
        grid=(NSTEPS,),
        in_specs=[
            pl.BlockSpec((GM_BLOCK, D_MODEL), lambda s, meta: (meta[0, s], 0)),
            pl.BlockSpec((1, D_MODEL, D_MODEL), lambda s, meta: (meta[1, s], 0, 0)),
            pl.BlockSpec((1, 1, D_MODEL), lambda s, meta: (meta[1, s], 0, 0)),
        ],
        out_specs=pl.BlockSpec((GM_BLOCK, D_MODEL), lambda s, meta: (meta[0, s], 0)),
    )
    return pl.pallas_call(
        _gm_body,
        grid_spec=grid_spec,
        out_shape=jax.ShapeDtypeStruct((N_TOKENS, D_MODEL), jnp.float32),
        compiler_params=pltpu.CompilerParams(
            dimension_semantics=("arbitrary",),
        ),
    )(meta, xs_sorted, W_leaf, b_leaf.reshape(N_LEAF, 1, D_MODEL))


def kernel(xs, w_branch, b_branch, W_leaf, b_leaf):
    leaf, rank, counts2d, offs2d = _decide(xs, w_branch, b_branch)
    meta = _group_metadata(counts2d[0, :N_LEAF])
    xs_sorted, pos = _sc("scatter")(xs, leaf, rank, offs2d)
    out_sorted = _grouped_matmul(xs_sorted, W_leaf, b_leaf, meta)
    return _sc("gather")(out_sorted, pos)

# --- scband reference (transcript-rebuilt; emitter-appended) ---
"""Pipeline reference for scband-tree-branch-76579266888209 (READ-ONLY COPY).

The authoritative reference and input builder live on the scoring server;
editing this copy changes nothing except your own understanding.
"""

import jax, jax.numpy as jnp
import numpy as np

# Concrete realization of the abstract TreeBranch: a depth-3 full binary tree
# (7 internal branch nodes, 8 leaves). Each branch's decision() is a linear
# hyperplane test (w.x + b > 0 -> go right); each leaf is a dense linear layer
# d_model -> d_model (an 'expert'). This is hard top-1 tree routing (MoE-style).

N_TOKENS = 4096
D_MODEL = 1024
N_BRANCH = 7   # internal nodes of a depth-3 full binary tree
N_LEAF = 8


def setup_inputs(seed: int = 0) -> dict:
    key = jax.random.key(seed)
    k1, k2, k3, k4, k5 = jax.random.split(key, 5)
    xs = jax.random.normal(k1, (N_TOKENS, D_MODEL), dtype=jnp.float32)
    # decision hyperplanes for the 7 branch nodes (root=0, level1=1,2, level2=3..6)
    w_branch = jax.random.normal(k2, (N_BRANCH, D_MODEL), dtype=jnp.float32) * 0.02
    b_branch = jax.random.normal(k3, (N_BRANCH,), dtype=jnp.float32) * 0.02
    # leaf expert weights
    W_leaf = jax.random.normal(k4, (N_LEAF, D_MODEL, D_MODEL), dtype=jnp.float32) * 0.02
    b_leaf = jax.random.normal(k5, (N_LEAF, D_MODEL), dtype=jnp.float32) * 0.02
    return {"xs": xs, "w_branch": w_branch, "b_branch": b_branch, "W_leaf": W_leaf, "b_leaf": b_leaf}


def reference(xs, w_branch, b_branch, W_leaf, b_leaf):
    # TreeBranch.forward: route each sample through decisions, apply leaf to its
    # chunk, scatter results back by index. Implemented equivalently with masks
    # (result values are identical to the chunked gather/scatter formulation).
    dec = (xs @ w_branch.T + b_branch) > 0  # [N, 7] decision at each internal node
    out = jnp.zeros((xs.shape[0], W_leaf.shape[2]), dtype=xs.dtype)
    for leaf in range(N_LEAF):
        # bits along root-to-leaf path: 1 = right branch (decision True)
        b0 = (leaf >> 2) & 1
        b1 = (leaf >> 1) & 1
        b2 = leaf & 1
        n1 = 1 + b0                 # node index at level 1
        n2 = 3 + 2 * b0 + b1        # node index at level 2
        mask = (dec[:, 0] == bool(b0)) & (dec[:, n1] == bool(b1)) & (dec[:, n2] == bool(b2))
        leaf_out = xs @ W_leaf[leaf] + b_leaf[leaf]
        out = out + mask.astype(xs.dtype)[:, None] * leaf_out
    return out


if False:  # reference __main__ guard neutralized (emitter)
    inp = setup_inputs()
    y = reference(**inp)
    print(y.shape, y.dtype)

if __name__ == "__main__":
    import jax
    _d = setup_inputs()
    print(jax.jit(kernel)(*tuple(_d.values())))

</pallas_src>

<mosaic_0001>
#map = affine_map<(d0, d1) -> (0, 0)>
#map1 = affine_map<(d0, d1) -> (0)>
module attributes {stable_mosaic.version = 14 : i64} {
  func.func @gather_k(%arg0: i32, %arg1: i32, %arg2: memref<4096x1024xf32, #tpu.memory_space<hbm>>, %arg3: memref<4096xi32, #tpu.memory_space<hbm>>, %arg4: memref<4096x1024xf32, #tpu.memory_space<hbm>>, %arg5: memref<128xi32, #tpu.memory_space<vmem>>, %arg6: memref<2x32x1024xf32, #tpu.memory_space<vmem>>, %arg7: memref<2x!tpu.dma_semaphore, #tpu.memory_space<semaphore_mem>>, %arg8: memref<2x!tpu.dma_semaphore, #tpu.memory_space<semaphore_mem>>) attributes {dimension_semantics = [#tpu.dimension_semantics<core_parallel>, #tpu.dimension_semantics<subcore_parallel>], iteration_bounds = array<i64: 2, 16>, scalar_prefetch = 0 : i64, scratch_operands = 4 : i64, tpu.core_type = #tpu.core_type<sc_vector_subcore>, window_params = [{transform_indices = #map}, {transform_indices = #map1}, {transform_indices = #map}]} {
    %mul3A = arith.constant 2 : i32
    %mul3A_0 = arith.muli %arg1, %mul3A : i32
    %add3A = arith.addi %mul3A_0, %arg0 : i32
    %mul3A_1 = arith.constant 128 : i32
    %mul3A_2 = arith.muli %add3A, %mul3A_1 : i32
    "tpu.region"() ({
      %run_scoped3A = tpu.sem_alloc : memref<!tpu.dma_semaphore, #tpu.memory_space<semaphore_mem>>
      %dma_start3A_249 = tpu.memref_slice %arg3[%mul3A_2] : memref<4096xi32, #tpu.memory_space<hbm>> -> memref<128xi32, #tpu.memory_space<hbm>>
      %dma_start3A_250 = tpu.memref_slice %arg3[%mul3A_2] : memref<4096xi32, #tpu.memory_space<hbm>> -> memref<128xi32, #tpu.memory_space<hbm>>
      tpu.enqueue_dma source(%dma_start3A_250 : memref<128xi32, #tpu.memory_space<hbm>>) target(%arg5 : memref<128xi32, #tpu.memory_space<vmem>>) target_semaphore(%run_scoped3A : memref<!tpu.dma_semaphore, #tpu.memory_space<semaphore_mem>>)
      %dma_wait3A_251 = tpu.memref_slice %arg3[%mul3A_2] : memref<4096xi32, #tpu.memory_space<hbm>> -> memref<128xi32, #tpu.memory_space<hbm>>
      %dma_wait3A_252 = tpu.memref_slice %arg3[%mul3A_2] : memref<4096xi32, #tpu.memory_space<hbm>> -> memref<128xi32, #tpu.memory_space<hbm>>
      tpu.wait_dma2 semaphore(%run_scoped3A : memref<!tpu.dma_semaphore, #tpu.memory_space<semaphore_mem>>) src(%dma_wait3A_252 : memref<128xi32, #tpu.memory_space<hbm>>) dst(%arg5 : memref<128xi32, #tpu.memory_space<vmem>>)
      tpu.yield
    }) : () -> ()
    %dma_start3A = arith.constant 0 : i32
    %dma_start3A_3 = arith.constant 0 : i32
    %dma_start3A_4 = arith.constant 0 : i32
    %dma_start3A_5 = arith.constant 0 : i32
    %dma_start3A_6 = tpu.memref_slice %arg6[%dma_start3A, %dma_start3A_4, %dma_start3A_5] : memref<2x32x1024xf32, #tpu.memory_space<vmem>> -> memref<1x32x1024xf32, #tpu.memory_space<vmem>>
    %dma_start3A_7 = tpu.memref_squeeze %dma_start3A_6 : memref<1x32x1024xf32, #tpu.memory_space<vmem>> -> memref<32x1024xf32, #tpu.memory_space<vmem>>
    %dma_start3A_8 = arith.constant 0 : i32
    %dma_start3A_9 = tpu.memref_slice %arg5[%dma_start3A_8] : memref<128xi32, #tpu.memory_space<vmem>> -> memref<32xi32, #tpu.memory_space<vmem>>
    %dma_start3A_10 = arith.constant 0 : i32
    %dma_start3A_11 = arith.constant 0 : i32
    %dma_start3A_12 = tpu.memref_slice %arg2[%dma_start3A_10, %dma_start3A_11] : memref<4096x1024xf32, #tpu.memory_space<hbm>> -> memref<4096x1024xf32, #tpu.memory_space<hbm>>
    %dma_start3A_13 = tpu.memref_slice %arg7[%dma_start3A_3] : memref<2x!tpu.dma_semaphore, #tpu.memory_space<semaphore_mem>> -> memref<1x!tpu.dma_semaphore, #tpu.memory_space<semaphore_mem>>
    %dma_start3A_14 = tpu.memref_squeeze %dma_start3A_13 : memref<1x!tpu.dma_semaphore, #tpu.memory_space<semaphore_mem>> -> memref<!tpu.dma_semaphore, #tpu.memory_space<semaphore_mem>>
    tpu.enqueue_indirect_dma source(%dma_start3A_12 : memref<4096x1024xf32, #tpu.memory_space<hbm>>) target(%dma_start3A_7 : memref<32x1024xf32, #tpu.memory_space<vmem>>) offsets(%dma_start3A_9 : memref<32xi32, #tpu.memory_space<vmem>>) semaphore(%dma_start3A_14 : memref<!tpu.dma_semaphore, #tpu.memory_space<semaphore_mem>>)
    %dma_start3A_15 = arith.constant 1 : i32
    %dma_start3A_16 = arith.constant 1 : i32
    %dma_start3A_17 = arith.constant 0 : i32
    %dma_start3A_18 = arith.constant 0 : i32
    %dma_start3A_19 = tpu.memref_slice %arg6[%dma_start3A_15, %dma_start3A_17, %dma_start3A_18] : memref<2x32x1024xf32, #tpu.memory_space<vmem>> -> memref<1x32x1024xf32, #tpu.memory_space<vmem>>
    %dma_start3A_20 = tpu.memref_squeeze %dma_start3A_19 : memref<1x32x1024xf32, #tpu.memory_space<vmem>> -> memref<32x1024xf32, #tpu.memory_space<vmem>>
    %dma_start3A_21 = arith.constant 32 : i32
    %dma_start3A_22 = tpu.memref_slice %arg5[%dma_start3A_21] : memref<128xi32, #tpu.memory_space<vmem>> -> memref<32xi32, #tpu.memory_space<vmem>>
    %dma_start3A_23 = arith.constant 0 : i32
    %dma_start3A_24 = arith.constant 0 : i32
    %dma_start3A_25 = tpu.memref_slice %arg2[%dma_start3A_23, %dma_start3A_24] : memref<4096x1024xf32, #tpu.memory_space<hbm>> -> memref<4096x1024xf32, #tpu.memory_space<hbm>>
    %dma_start3A_26 = tpu.memref_slice %arg7[%dma_start3A_16] : memref<2x!tpu.dma_semaphore, #tpu.memory_space<semaphore_mem>> -> memref<1x!tpu.dma_semaphore, #tpu.memory_space<semaphore_mem>>
    %dma_start3A_27 = tpu.memref_squeeze %dma_start3A_26 : memref<1x!tpu.dma_semaphore, #tpu.memory_space<semaphore_mem>> -> memref<!tpu.dma_semaphore, #tpu.memory_space<semaphore_mem>>
    tpu.enqueue_indirect_dma source(%dma_start3A_25 : memref<4096x1024xf32, #tpu.memory_space<hbm>>) target(%dma_start3A_20 : memref<32x1024xf32, #tpu.memory_space<vmem>>) offsets(%dma_start3A_22 : memref<32xi32, #tpu.memory_space<vmem>>) semaphore(%dma_start3A_27 : memref<!tpu.dma_semaphore, #tpu.memory_space<semaphore_mem>>)
    %dma_wait3A = arith.constant 0 : i32
    %dma_wait3A_28 = arith.constant 0 : i32
    %dma_wait3A_29 = arith.constant 0 : i32
    %dma_wait3A_30 = arith.constant 0 : i32
    %dma_wait3A_31 = tpu.memref_slice %arg6[%dma_wait3A, %dma_wait3A_29, %dma_wait3A_30] : memref<2x32x1024xf32, #tpu.memory_space<vmem>> -> memref<1x32x1024xf32, #tpu.memory_space<vmem>>
    %dma_wait3A_32 = tpu.memref_squeeze %dma_wait3A_31 : memref<1x32x1024xf32, #tpu.memory_space<vmem>> -> memref<32x1024xf32, #tpu.memory_space<vmem>>
    %dma_wait3A_33 = arith.constant 0 : i32
    %dma_wait3A_34 = tpu.memref_slice %arg5[%dma_wait3A_33] : memref<128xi32, #tpu.memory_space<vmem>> -> memref<32xi32, #tpu.memory_space<vmem>>
    %dma_wait3A_35 = arith.constant 0 : i32
    %dma_wait3A_36 = arith.constant 0 : i32
    %dma_wait3A_37 = tpu.memref_slice %arg2[%dma_wait3A_35, %dma_wait3A_36] : memref<4096x1024xf32, #tpu.memory_space<hbm>> -> memref<4096x1024xf32, #tpu.memory_space<hbm>>
    %dma_wait3A_38 = tpu.memref_slice %arg7[%dma_wait3A_28] : memref<2x!tpu.dma_semaphore, #tpu.memory_space<semaphore_mem>> -> memref<1x!tpu.dma_semaphore, #tpu.memory_space<semaphore_mem>>
    %dma_wait3A_39 = tpu.memref_squeeze %dma_wait3A_38 : memref<1x!tpu.dma_semaphore, #tpu.memory_space<semaphore_mem>> -> memref<!tpu.dma_semaphore, #tpu.memory_space<semaphore_mem>>
    tpu.wait_indirect_dma semaphore(%dma_wait3A_39 : memref<!tpu.dma_semaphore, #tpu.memory_space<semaphore_mem>>) src(%dma_wait3A_37 : memref<4096x1024xf32, #tpu.memory_space<hbm>>) dst(%dma_wait3A_32 : memref<32x1024xf32, #tpu.memory_space<vmem>>)
    %add3A_40 = arith.constant 0 : i32
    %add3A_41 = arith.addi %mul3A_2, %add3A_40 : i32
    %dma_start3A_42 = arith.constant 0 : i32
    %dma_start3A_43 = arith.constant 0 : i32
    %dma_start3A_44 = arith.constant 0 : i32
    %dma_start3A_45 = arith.constant 0 : i32
    %dma_start3A_46 = tpu.memref_slice %arg6[%dma_start3A_42, %dma_start3A_44, %dma_start3A_45] : memref<2x32x1024xf32, #tpu.memory_space<vmem>> -> memref<1x32x1024xf32, #tpu.memory_space<vmem>>
    %dma_start3A_47 = tpu.memref_squeeze %dma_start3A_46 : memref<1x32x1024xf32, #tpu.memory_space<vmem>> -> memref<32x1024xf32, #tpu.memory_space<vmem>>
    %dma_start3A_48 = arith.constant 0 : i32
    %dma_start3A_49 = tpu.memref_slice %arg4[%add3A_41, %dma_start3A_48] : memref<4096x1024xf32, #tpu.memory_space<hbm>> -> memref<32x1024xf32, #tpu.memory_space<hbm>>
    %dma_start3A_50 = tpu.memref_slice %arg8[%dma_start3A_43] : memref<2x!tpu.dma_semaphore, #tpu.memory_space<semaphore_mem>> -> memref<1x!tpu.dma_semaphore, #tpu.memory_space<semaphore_mem>>
    %dma_start3A_51 = tpu.memref_squeeze %dma_start3A_50 : memref<1x!tpu.dma_semaphore, #tpu.memory_space<semaphore_mem>> -> memref<!tpu.dma_semaphore, #tpu.memory_space<semaphore_mem>>
    %dma_start3A_52 = arith.constant 0 : i32
    %dma_start3A_53 = tpu.memref_slice %arg4[%add3A_41, %dma_start3A_52] : memref<4096x1024xf32, #tpu.memory_space<hbm>> -> memref<32x1024xf32, #tpu.memory_space<hbm>>
    %dma_start3A_54 = arith.constant 0 : i32
    %dma_start3A_55 = arith.constant 0 : i32
    %dma_start3A_56 = tpu.memref_slice %arg6[%dma_start3A_42, %dma_start3A_54, %dma_start3A_55] : memref<2x32x1024xf32, #tpu.memory_space<vmem>> -> memref<1x32x1024xf32, #tpu.memory_space<vmem>>
    %dma_start3A_57 = tpu.memref_squeeze %dma_start3A_56 : memref<1x32x1024xf32, #tpu.memory_space<vmem>> -> memref<32x1024xf32, #tpu.memory_space<vmem>>
    tpu.enqueue_dma source(%dma_start3A_57 : memref<32x1024xf32, #tpu.memory_space<vmem>>) target(%dma_start3A_53 : memref<32x1024xf32, #tpu.memory_space<hbm>>) target_semaphore(%dma_start3A_51 : memref<!tpu.dma_semaphore, #tpu.memory_space<semaphore_mem>>)
    %add3A_58 = arith.constant 0 : i32
    %add3A_59 = arith.addi %mul3A_2, %add3A_58 : i32
    %dma_wait3A_60 = arith.constant 0 : i32
    %dma_wait3A_61 = arith.constant 0 : i32
    %dma_wait3A_62 = arith.constant 0 : i32
    %dma_wait3A_63 = arith.constant 0 : i32
    %dma_wait3A_64 = tpu.memref_slice %arg6[%dma_wait3A_60, %dma_wait3A_62, %dma_wait3A_63] : memref<2x32x1024xf32, #tpu.memory_space<vmem>> -> memref<1x32x1024xf32, #tpu.memory_space<vmem>>
    %dma_wait3A_65 = tpu.memref_squeeze %dma_wait3A_64 : memref<1x32x1024xf32, #tpu.memory_space<vmem>> -> memref<32x1024xf32, #tpu.memory_space<vmem>>
    %dma_wait3A_66 = arith.constant 0 : i32
    %dma_wait3A_67 = tpu.memref_slice %arg4[%add3A_59, %dma_wait3A_66] : memref<4096x1024xf32, #tpu.memory_space<hbm>> -> memref<32x1024xf32, #tpu.memory_space<hbm>>
    %dma_wait3A_68 = tpu.memref_slice %arg8[%dma_wait3A_61] : memref<2x!tpu.dma_semaphore, #tpu.memory_space<semaphore_mem>> -> memref<1x!tpu.dma_semaphore, #tpu.memory_space<semaphore_mem>>
    %dma_wait3A_69 = tpu.memref_squeeze %dma_wait3A_68 : memref<1x!tpu.dma_semaphore, #tpu.memory_space<semaphore_mem>> -> memref<!tpu.dma_semaphore, #tpu.memory_space<semaphore_mem>>
    %dma_wait3A_70 = arith.constant 0 : i32
    %dma_wait3A_71 = tpu.memref_slice %arg4[%add3A_59, %dma_wait3A_70] : memref<4096x1024xf32, #tpu.memory_space<hbm>> -> memref<32x1024xf32, #tpu.memory_space<hbm>>
    %dma_wait3A_72 = arith.constant 0 : i32
    %dma_wait3A_73 = arith.constant 0 : i32
    %dma_wait3A_74 = tpu.memref_slice %arg6[%dma_wait3A_60, %dma_wait3A_72, %dma_wait3A_73] : memref<2x32x1024xf32, #tpu.memory_space<vmem>> -> memref<1x32x1024xf32, #tpu.memory_space<vmem>>
    %dma_wait3A_75 = tpu.memref_squeeze %dma_wait3A_74 : memref<1x32x1024xf32, #tpu.memory_space<vmem>> -> memref<32x1024xf32, #tpu.memory_space<vmem>>
    tpu.wait_dma2 semaphore(%dma_wait3A_69 : memref<!tpu.dma_semaphore, #tpu.memory_space<semaphore_mem>>) src(%dma_wait3A_75 : memref<32x1024xf32, #tpu.memory_space<vmem>>) dst(%dma_wait3A_71 : memref<32x1024xf32, #tpu.memory_space<hbm>>)
    %dma_start3A_76 = arith.constant 0 : i32
    %dma_start3A_77 = arith.constant 0 : i32
    %dma_start3A_78 = arith.constant 0 : i32
    %dma_start3A_79 = arith.constant 0 : i32
    %dma_start3A_80 = tpu.memref_slice %arg6[%dma_start3A_76, %dma_start3A_78, %dma_start3A_79] : memref<2x32x1024xf32, #tpu.memory_space<vmem>> -> memref<1x32x1024xf32, #tpu.memory_space<vmem>>
    %dma_start3A_81 = tpu.memref_squeeze %dma_start3A_80 : memref<1x32x1024xf32, #tpu.memory_space<vmem>> -> memref<32x1024xf32, #tpu.memory_space<vmem>>
    %dma_start3A_82 = arith.constant 64 : i32
    %dma_start3A_83 = tpu.memref_slice %arg5[%dma_start3A_82] : memref<128xi32, #tpu.memory_space<vmem>> -> memref<32xi32, #tpu.memory_space<vmem>>
    %dma_start3A_84 = arith.constant 0 : i32
    %dma_start3A_85 = arith.constant 0 : i32
    %dma_start3A_86 = tpu.memref_slice %arg2[%dma_start3A_84, %dma_start3A_85] : memref<4096x1024xf32, #tpu.memory_space<hbm>> -> memref<4096x1024xf32, #tpu.memory_space<hbm>>
    %dma_start3A_87 = tpu.memref_slice %arg7[%dma_start3A_77] : memref<2x!tpu.dma_semaphore, #tpu.memory_space<semaphore_mem>> -> memref<1x!tpu.dma_semaphore, #tpu.memory_space<semaphore_mem>>
    %dma_start3A_88 = tpu.memref_squeeze %dma_start3A_87 : memref<1x!tpu.dma_semaphore, #tpu.memory_space<semaphore_mem>> -> memref<!tpu.dma_semaphore, #tpu.memory_space<semaphore_mem>>
    tpu.enqueue_indirect_dma source(%dma_start3A_86 : memref<4096x1024xf32, #tpu.memory_space<hbm>>) target(%dma_start3A_81 : memref<32x1024xf32, #tpu.memory_space<vmem>>) offsets(%dma_start3A_83 : memref<32xi32, #tpu.memory_space<vmem>>) semaphore(%dma_start3A_88 : memref<!tpu.dma_semaphore, #tpu.memory_space<semaphore_mem>>)
    %dma_wait3A_89 = arith.constant 1 : i32
    %dma_wait3A_90 = arith.constant 1 : i32
    %dma_wait3A_91 = arith.constant 0 : i32
    %dma_wait3A_92 = arith.constant 0 : i32
    %dma_wait3A_93 = tpu.memref_slice %arg6[%dma_wait3A_89, %dma_wait3A_91, %dma_wait3A_92] : memref<2x32x1024xf32, #tpu.memory_space<vmem>> -> memref<1x32x1024xf32, #tpu.memory_space<vmem>>
    %dma_wait3A_94 = tpu.memref_squeeze %dma_wait3A_93 : memref<1x32x1024xf32, #tpu.memory_space<vmem>> -> memref<32x1024xf32, #tpu.memory_space<vmem>>
    %dma_wait3A_95 = arith.constant 32 : i32
    %dma_wait3A_96 = tpu.memref_slice %arg5[%dma_wait3A_95] : memref<128xi32, #tpu.memory_space<vmem>> -> memref<32xi32, #tpu.memory_space<vmem>>
    %dma_wait3A_97 = arith.constant 0 : i32
    %dma_wait3A_98 = arith.constant 0 : i32
    %dma_wait3A_99 = tpu.memref_slice %arg2[%dma_wait3A_97, %dma_wait3A_98] : memref<4096x1024xf32, #tpu.memory_space<hbm>> -> memref<4096x1024xf32, #tpu.memory_space<hbm>>
    %dma_wait3A_100 = tpu.memref_slice %arg7[%dma_wait3A_90] : memref<2x!tpu.dma_semaphore, #tpu.memory_space<semaphore_mem>> -> memref<1x!tpu.dma_semaphore, #tpu.memory_space<semaphore_mem>>
    %dma_wait3A_101 = tpu.memref_squeeze %dma_wait3A_100 : memref<1x!tpu.dma_semaphore, #tpu.memory_space<semaphore_mem>> -> memref<!tpu.dma_semaphore, #tpu.memory_space<semaphore_mem>>
    tpu.wait_indirect_dma semaphore(%dma_wait3A_101 : memref<!tpu.dma_semaphore, #tpu.memory_space<semaphore_mem>>) src(%dma_wait3A_99 : memref<4096x1024xf32, #tpu.memory_space<hbm>>) dst(%dma_wait3A_94 : memref<32x1024xf32, #tpu.memory_space<vmem>>)
    %add3A_102 = arith.constant 32 : i32
    %add3A_103 = arith.addi %mul3A_2, %add3A_102 : i32
    %dma_start3A_104 = arith.constant 1 : i32
    %dma_start3A_105 = arith.constant 1 : i32
    %dma_start3A_106 = arith.constant 0 : i32
    %dma_start3A_107 = arith.constant 0 : i32
    %dma_start3A_108 = tpu.memref_slice %arg6[%dma_start3A_104, %dma_start3A_106, %dma_start3A_107] : memref<2x32x1024xf32, #tpu.memory_space<vmem>> -> memref<1x32x1024xf32, #tpu.memory_space<vmem>>
    %dma_start3A_109 = tpu.memref_squeeze %dma_start3A_108 : memref<1x32x1024xf32, #tpu.memory_space<vmem>> -> memref<32x1024xf32, #tpu.memory_space<vmem>>
    %dma_start3A_110 = arith.constant 0 : i32
    %dma_start3A_111 = tpu.memref_slice %arg4[%add3A_103, %dma_start3A_110] : memref<4096x1024xf32, #tpu.memory_space<hbm>> -> memref<32x1024xf32, #tpu.memory_space<hbm>>
    %dma_start3A_112 = tpu.memref_slice %arg8[%dma_start3A_105] : memref<2x!tpu.dma_semaphore, #tpu.memory_space<semaphore_mem>> -> memref<1x!tpu.dma_semaphore, #tpu.memory_space<semaphore_mem>>
    %dma_start3A_113 = tpu.memref_squeeze %dma_start3A_112 : memref<1x!tpu.dma_semaphore, #tpu.memory_space<semaphore_mem>> -> memref<!tpu.dma_semaphore, #tpu.memory_space<semaphore_mem>>
    %dma_start3A_114 = arith.constant 0 : i32
    %dma_start3A_115 = tpu.memref_slice %arg4[%add3A_103, %dma_start3A_114] : memref<4096x1024xf32, #tpu.memory_space<hbm>> -> memref<32x1024xf32, #tpu.memory_space<hbm>>
    %dma_start3A_116 = arith.constant 0 : i32
    %dma_start3A_117 = arith.constant 0 : i32
    %dma_start3A_118 = tpu.memref_slice %arg6[%dma_start3A_104, %dma_start3A_116, %dma_start3A_117] : memref<2x32x1024xf32, #tpu.memory_space<vmem>> -> memref<1x32x1024xf32, #tpu.memory_space<vmem>>
    %dma_start3A_119 = tpu.memref_squeeze %dma_start3A_118 : memref<1x32x1024xf32, #tpu.memory_space<vmem>> -> memref<32x1024xf32, #tpu.memory_space<vmem>>
    tpu.enqueue_dma source(%dma_start3A_119 : memref<32x1024xf32, #tpu.memory_space<vmem>>) target(%dma_start3A_115 : memref<32x1024xf32, #tpu.memory_space<hbm>>) target_semaphore(%dma_start3A_113 : memref<!tpu.dma_semaphore, #tpu.memory_space<semaphore_mem>>)
    %add3A_120 = arith.constant 32 : i32
    %add3A_121 = arith.addi %mul3A_2, %add3A_120 : i32
    %dma_wait3A_122 = arith.constant 1 : i32
    %dma_wait3A_123 = arith.constant 1 : i32
    %dma_wait3A_124 = arith.constant 0 : i32
    %dma_wait3A_125 = arith.constant 0 : i32
    %dma_wait3A_126 = tpu.memref_slice %arg6[%dma_wait3A_122, %dma_wait3A_124, %dma_wait3A_125] : memref<2x32x1024xf32, #tpu.memory_space<vmem>> -> memref<1x32x1024xf32, #tpu.memory_space<vmem>>
    %dma_wait3A_127 = tpu.memref_squeeze %dma_wait3A_126 : memref<1x32x1024xf32, #tpu.memory_space<vmem>> -> memref<32x1024xf32, #tpu.memory_space<vmem>>
    %dma_wait3A_128 = arith.constant 0 : i32
    %dma_wait3A_129 = tpu.memref_slice %arg4[%add3A_121, %dma_wait3A_128] : memref<4096x1024xf32, #tpu.memory_space<hbm>> -> memref<32x1024xf32, #tpu.memory_space<hbm>>
    %dma_wait3A_130 = tpu.memref_slice %arg8[%dma_wait3A_123] : memref<2x!tpu.dma_semaphore, #tpu.memory_space<semaphore_mem>> -> memref<1x!tpu.dma_semaphore, #tpu.memory_space<semaphore_mem>>
    %dma_wait3A_131 = tpu.memref_squeeze %dma_wait3A_130 : memref<1x!tpu.dma_semaphore, #tpu.memory_space<semaphore_mem>> -> memref<!tpu.dma_semaphore, #tpu.memory_space<semaphore_mem>>
    %dma_wait3A_132 = arith.constant 0 : i32
    %dma_wait3A_133 = tpu.memref_slice %arg4[%add3A_121, %dma_wait3A_132] : memref<4096x1024xf32, #tpu.memory_space<hbm>> -> memref<32x1024xf32, #tpu.memory_space<hbm>>
    %dma_wait3A_134 = arith.constant 0 : i32
    %dma_wait3A_135 = arith.constant 0 : i32
    %dma_wait3A_136 = tpu.memref_slice %arg6[%dma_wait3A_122, %dma_wait3A_134, %dma_wait3A_135] : memref<2x32x1024xf32, #tpu.memory_space<vmem>> -> memref<1x32x1024xf32, #tpu.memory_space<vmem>>
    %dma_wait3A_137 = tpu.memref_squeeze %dma_wait3A_136 : memref<1x32x1024xf32, #tpu.memory_space<vmem>> -> memref<32x1024xf32, #tpu.memory_space<vmem>>
    tpu.wait_dma2 semaphore(%dma_wait3A_131 : memref<!tpu.dma_semaphore, #tpu.memory_space<semaphore_mem>>) src(%dma_wait3A_137 : memref<32x1024xf32, #tpu.memory_space<vmem>>) dst(%dma_wait3A_133 : memref<32x1024xf32, #tpu.memory_space<hbm>>)
    %dma_start3A_138 = arith.constant 1 : i32
    %dma_start3A_139 = arith.constant 1 : i32
    %dma_start3A_140 = arith.constant 0 : i32
    %dma_start3A_141 = arith.constant 0 : i32
    %dma_start3A_142 = tpu.memref_slice %arg6[%dma_start3A_138, %dma_start3A_140, %dma_start3A_141] : memref<2x32x1024xf32, #tpu.memory_space<vmem>> -> memref<1x32x1024xf32, #tpu.memory_space<vmem>>
    %dma_start3A_143 = tpu.memref_squeeze %dma_start3A_142 : memref<1x32x1024xf32, #tpu.memory_space<vmem>> -> memref<32x1024xf32, #tpu.memory_space<vmem>>
    %dma_start3A_144 = arith.constant 96 : i32
    %dma_start3A_145 = tpu.memref_slice %arg5[%dma_start3A_144] : memref<128xi32, #tpu.memory_space<vmem>> -> memref<32xi32, #tpu.memory_space<vmem>>
    %dma_start3A_146 = arith.constant 0 : i32
    %dma_start3A_147 = arith.constant 0 : i32
    %dma_start3A_148 = tpu.memref_slice %arg2[%dma_start3A_146, %dma_start3A_147] : memref<4096x1024xf32, #tpu.memory_space<hbm>> -> memref<4096x1024xf32, #tpu.memory_space<hbm>>
    %dma_start3A_149 = tpu.memref_slice %arg7[%dma_start3A_139] : memref<2x!tpu.dma_semaphore, #tpu.memory_space<semaphore_mem>> -> memref<1x!tpu.dma_semaphore, #tpu.memory_space<semaphore_mem>>
    %dma_start3A_150 = tpu.memref_squeeze %dma_start3A_149 : memref<1x!tpu.dma_semaphore, #tpu.memory_space<semaphore_mem>> -> memref<!tpu.dma_semaphore, #tpu.memory_space<semaphore_mem>>
    tpu.enqueue_indirect_dma source(%dma_start3A_148 : memref<4096x1024xf32, #tpu.memory_space<hbm>>) target(%dma_start3A_143 : memref<32x1024xf32, #tpu.memory_space<vmem>>) offsets(%dma_start3A_145 : memref<32xi32, #tpu.memory_space<vmem>>) semaphore(%dma_start3A_150 : memref<!tpu.dma_semaphore, #tpu.memory_space<semaphore_mem>>)
    %dma_wait3A_151 = arith.constant 0 : i32
    %dma_wait3A_152 = arith.constant 0 : i32
    %dma_wait3A_153 = arith.constant 0 : i32
    %dma_wait3A_154 = arith.constant 0 : i32
    %dma_wait3A_155 = tpu.memref_slice %arg6[%dma_wait3A_151, %dma_wait3A_153, %dma_wait3A_154] : memref<2x32x1024xf32, #tpu.memory_space<vmem>> -> memref<1x32x1024xf32, #tpu.memory_space<vmem>>
    %dma_wait3A_156 = tpu.memref_squeeze %dma_wait3A_155 : memref<1x32x1024xf32, #tpu.memory_space<vmem>> -> memref<32x1024xf32, #tpu.memory_space<vmem>>
    %dma_wait3A_157 = arith.constant 64 : i32
    %dma_wait3A_158 = tpu.memref_slice %arg5[%dma_wait3A_157] : memref<128xi32, #tpu.memory_space<vmem>> -> memref<32xi32, #tpu.memory_space<vmem>>
    %dma_wait3A_159 = arith.constant 0 : i32
    %dma_wait3A_160 = arith.constant 0 : i32
    %dma_wait3A_161 = tpu.memref_slice %arg2[%dma_wait3A_159, %dma_wait3A_160] : memref<4096x1024xf32, #tpu.memory_space<hbm>> -> memref<4096x1024xf32, #tpu.memory_space<hbm>>
    %dma_wait3A_162 = tpu.memref_slice %arg7[%dma_wait3A_152] : memref<2x!tpu.dma_semaphore, #tpu.memory_space<semaphore_mem>> -> memref<1x!tpu.dma_semaphore, #tpu.memory_space<semaphore_mem>>
    %dma_wait3A_163 = tpu.memref_squeeze %dma_wait3A_162 : memref<1x!tpu.dma_semaphore, #tpu.memory_space<semaphore_mem>> -> memref<!tpu.dma_semaphore, #tpu.memory_space<semaphore_mem>>
    tpu.wait_indirect_dma semaphore(%dma_wait3A_163 : memref<!tpu.dma_semaphore, #tpu.memory_space<semaphore_mem>>) src(%dma_wait3A_161 : memref<4096x1024xf32, #tpu.memory_space<hbm>>) dst(%dma_wait3A_156 : memref<32x1024xf32, #tpu.memory_space<vmem>>)
    %add3A_164 = arith.constant 64 : i32
    %add3A_165 = arith.addi %mul3A_2, %add3A_164 : i32
    %dma_start3A_166 = arith.constant 0 : i32
    %dma_start3A_167 = arith.constant 0 : i32
    %dma_start3A_168 = arith.constant 0 : i32
    %dma_start3A_169 = arith.constant 0 : i32
    %dma_start3A_170 = tpu.memref_slice %arg6[%dma_start3A_166, %dma_start3A_168, %dma_start3A_169] : memref<2x32x1024xf32, #tpu.memory_space<vmem>> -> memref<1x32x1024xf32, #tpu.memory_space<vmem>>
    %dma_start3A_171 = tpu.memref_squeeze %dma_start3A_170 : memref<1x32x1024xf32, #tpu.memory_space<vmem>> -> memref<32x1024xf32, #tpu.memory_space<vmem>>
    %dma_start3A_172 = arith.constant 0 : i32
    %dma_start3A_173 = tpu.memref_slice %arg4[%add3A_165, %dma_start3A_172] : memref<4096x1024xf32, #tpu.memory_space<hbm>> -> memref<32x1024xf32, #tpu.memory_space<hbm>>
    %dma_start3A_174 = tpu.memref_slice %arg8[%dma_start3A_167] : memref<2x!tpu.dma_semaphore, #tpu.memory_space<semaphore_mem>> -> memref<1x!tpu.dma_semaphore, #tpu.memory_space<semaphore_mem>>
    %dma_start3A_175 = tpu.memref_squeeze %dma_start3A_174 : memref<1x!tpu.dma_semaphore, #tpu.memory_space<semaphore_mem>> -> memref<!tpu.dma_semaphore, #tpu.memory_space<semaphore_mem>>
    %dma_start3A_176 = arith.constant 0 : i32
    %dma_start3A_177 = tpu.memref_slice %arg4[%add3A_165, %dma_start3A_176] : memref<4096x1024xf32, #tpu.memory_space<hbm>> -> memref<32x1024xf32, #tpu.memory_space<hbm>>
    %dma_start3A_178 = arith.constant 0 : i32
    %dma_start3A_179 = arith.constant 0 : i32
    %dma_start3A_180 = tpu.memref_slice %arg6[%dma_start3A_166, %dma_start3A_178, %dma_start3A_179] : memref<2x32x1024xf32, #tpu.memory_space<vmem>> -> memref<1x32x1024xf32, #tpu.memory_space<vmem>>
    %dma_start3A_181 = tpu.memref_squeeze %dma_start3A_180 : memref<1x32x1024xf32, #tpu.memory_space<vmem>> -> memref<32x1024xf32, #tpu.memory_space<vmem>>
    tpu.enqueue_dma source(%dma_start3A_181 : memref<32x1024xf32, #tpu.memory_space<vmem>>) target(%dma_start3A_177 : memref<32x1024xf32, #tpu.memory_space<hbm>>) target_semaphore(%dma_start3A_175 : memref<!tpu.dma_semaphore, #tpu.memory_space<semaphore_mem>>)
    %dma_wait3A_182 = arith.constant 1 : i32
    %dma_wait3A_183 = arith.constant 1 : i32
    %dma_wait3A_184 = arith.constant 0 : i32
    %dma_wait3A_185 = arith.constant 0 : i32
    %dma_wait3A_186 = tpu.memref_slice %arg6[%dma_wait3A_182, %dma_wait3A_184, %dma_wait3A_185] : memref<2x32x1024xf32, #tpu.memory_space<vmem>> -> memref<1x32x1024xf32, #tpu.memory_space<vmem>>
    %dma_wait3A_187 = tpu.memref_squeeze %dma_wait3A_186 : memref<1x32x1024xf32, #tpu.memory_space<vmem>> -> memref<32x1024xf32, #tpu.memory_space<vmem>>
    %dma_wait3A_188 = arith.constant 96 : i32
    %dma_wait3A_189 = tpu.memref_slice %arg5[%dma_wait3A_188] : memref<128xi32, #tpu.memory_space<vmem>> -> memref<32xi32, #tpu.memory_space<vmem>>
    %dma_wait3A_190 = arith.constant 0 : i32
    %dma_wait3A_191 = arith.constant 0 : i32
    %dma_wait3A_192 = tpu.memref_slice %arg2[%dma_wait3A_190, %dma_wait3A_191] : memref<4096x1024xf32, #tpu.memory_space<hbm>> -> memref<4096x1024xf32, #tpu.memory_space<hbm>>
    %dma_wait3A_193 = tpu.memref_slice %arg7[%dma_wait3A_183] : memref<2x!tpu.dma_semaphore, #tpu.memory_space<semaphore_mem>> -> memref<1x!tpu.dma_semaphore, #tpu.memory_space<semaphore_mem>>
    %dma_wait3A_194 = tpu.memref_squeeze %dma_wait3A_193 : memref<1x!tpu.dma_semaphore, #tpu.memory_space<semaphore_mem>> -> memref<!tpu.dma_semaphore, #tpu.memory_space<semaphore_mem>>
    tpu.wait_indirect_dma semaphore(%dma_wait3A_194 : memref<!tpu.dma_semaphore, #tpu.memory_space<semaphore_mem>>) src(%dma_wait3A_192 : memref<4096x1024xf32, #tpu.memory_space<hbm>>) dst(%dma_wait3A_187 : memref<32x1024xf32, #tpu.memory_space<vmem>>)
    %add3A_195 = arith.constant 96 : i32
    %add3A_196 = arith.addi %mul3A_2, %add3A_195 : i32
    %dma_start3A_197 = arith.constant 1 : i32
    %dma_start3A_198 = arith.constant 1 : i32
    %dma_start3A_199 = arith.constant 0 : i32
    %dma_start3A_200 = arith.constant 0 : i32
    %dma_start3A_201 = tpu.memref_slice %arg6[%dma_start3A_197, %dma_start3A_199, %dma_start3A_200] : memref<2x32x1024xf32, #tpu.memory_space<vmem>> -> memref<1x32x1024xf32, #tpu.memory_space<vmem>>
    %dma_start3A_202 = tpu.memref_squeeze %dma_start3A_201 : memref<1x32x1024xf32, #tpu.memory_space<vmem>> -> memref<32x1024xf32, #tpu.memory_space<vmem>>
    %dma_start3A_203 = arith.constant 0 : i32
    %dma_start3A_204 = tpu.memref_slice %arg4[%add3A_196, %dma_start3A_203] : memref<4096x1024xf32, #tpu.memory_space<hbm>> -> memref<32x1024xf32, #tpu.memory_space<hbm>>
    %dma_start3A_205 = tpu.memref_slice %arg8[%dma_start3A_198] : memref<2x!tpu.dma_semaphore, #tpu.memory_space<semaphore_mem>> -> memref<1x!tpu.dma_semaphore, #tpu.memory_space<semaphore_mem>>
    %dma_start3A_206 = tpu.memref_squeeze %dma_start3A_205 : memref<1x!tpu.dma_semaphore, #tpu.memory_space<semaphore_mem>> -> memref<!tpu.dma_semaphore, #tpu.memory_space<semaphore_mem>>
    %dma_start3A_207 = arith.constant 0 : i32
    %dma_start3A_208 = tpu.memref_slice %arg4[%add3A_196, %dma_start3A_207] : memref<4096x1024xf32, #tpu.memory_space<hbm>> -> memref<32x1024xf32, #tpu.memory_space<hbm>>
    %dma_start3A_209 = arith.constant 0 : i32
    %dma_start3A_210 = arith.constant 0 : i32
    %dma_start3A_211 = tpu.memref_slice %arg6[%dma_start3A_197, %dma_start3A_209, %dma_start3A_210] : memref<2x32x1024xf32, #tpu.memory_space<vmem>> -> memref<1x32x1024xf32, #tpu.memory_space<vmem>>
    %dma_start3A_212 = tpu.memref_squeeze %dma_start3A_211 : memref<1x32x1024xf32, #tpu.memory_space<vmem>> -> memref<32x1024xf32, #tpu.memory_space<vmem>>
    tpu.enqueue_dma source(%dma_start3A_212 : memref<32x1024xf32, #tpu.memory_space<vmem>>) target(%dma_start3A_208 : memref<32x1024xf32, #tpu.memory_space<hbm>>) target_semaphore(%dma_start3A_206 : memref<!tpu.dma_semaphore, #tpu.memory_space<semaphore_mem>>)
    %add3A_213 = arith.constant 64 : i32
    %add3A_214 = arith.addi %mul3A_2, %add3A_213 : i32
    %dma_wait3A_215 = arith.constant 0 : i32
    %dma_wait3A_216 = arith.constant 0 : i32
    %dma_wait3A_217 = arith.constant 0 : i32
    %dma_wait3A_218 = arith.constant 0 : i32
    %dma_wait3A_219 = tpu.memref_slice %arg6[%dma_wait3A_215, %dma_wait3A_217, %dma_wait3A_218] : memref<2x32x1024xf32, #tpu.memory_space<vmem>> -> memref<1x32x1024xf32, #tpu.memory_space<vmem>>
    %dma_wait3A_220 = tpu.memref_squeeze %dma_wait3A_219 : memref<1x32x1024xf32, #tpu.memory_space<vmem>> -> memref<32x1024xf32, #tpu.memory_space<vmem>>
    %dma_wait3A_221 = arith.constant 0 : i32
    %dma_wait3A_222 = tpu.memref_slice %arg4[%add3A_214, %dma_wait3A_221] : memref<4096x1024xf32, #tpu.memory_space<hbm>> -> memref<32x1024xf32, #tpu.memory_space<hbm>>
    %dma_wait3A_223 = tpu.memref_slice %arg8[%dma_wait3A_216] : memref<2x!tpu.dma_semaphore, #tpu.memory_space<semaphore_mem>> -> memref<1x!tpu.dma_semaphore, #tpu.memory_space<semaphore_mem>>
    %dma_wait3A_224 = tpu.memref_squeeze %dma_wait3A_223 : memref<1x!tpu.dma_semaphore, #tpu.memory_space<semaphore_mem>> -> memref<!tpu.dma_semaphore, #tpu.memory_space<semaphore_mem>>
    %dma_wait3A_225 = arith.constant 0 : i32
    %dma_wait3A_226 = tpu.memref_slice %arg4[%add3A_214, %dma_wait3A_225] : memref<4096x1024xf32, #tpu.memory_space<hbm>> -> memref<32x1024xf32, #tpu.memory_space<hbm>>
    %dma_wait3A_227 = arith.constant 0 : i32
    %dma_wait3A_228 = arith.constant 0 : i32
    %dma_wait3A_229 = tpu.memref_slice %arg6[%dma_wait3A_215, %dma_wait3A_227, %dma_wait3A_228] : memref<2x32x1024xf32, #tpu.memory_space<vmem>> -> memref<1x32x1024xf32, #tpu.memory_space<vmem>>
    %dma_wait3A_230 = tpu.memref_squeeze %dma_wait3A_229 : memref<1x32x1024xf32, #tpu.memory_space<vmem>> -> memref<32x1024xf32, #tpu.memory_space<vmem>>
    tpu.wait_dma2 semaphore(%dma_wait3A_224 : memref<!tpu.dma_semaphore, #tpu.memory_space<semaphore_mem>>) src(%dma_wait3A_230 : memref<32x1024xf32, #tpu.memory_space<vmem>>) dst(%dma_wait3A_226 : memref<32x1024xf32, #tpu.memory_space<hbm>>)
    %add3A_231 = arith.constant 96 : i32
    %add3A_232 = arith.addi %mul3A_2, %add3A_231 : i32
    %dma_wait3A_233 = arith.constant 1 : i32
    %dma_wait3A_234 = arith.constant 1 : i32
    %dma_wait3A_235 = arith.constant 0 : i32
    %dma_wait3A_236 = arith.constant 0 : i32
    %dma_wait3A_237 = tpu.memref_slice %arg6[%dma_wait3A_233, %dma_wait3A_235, %dma_wait3A_236] : memref<2x32x1024xf32, #tpu.memory_space<vmem>> -> memref<1x32x1024xf32, #tpu.memory_space<vmem>>
    %dma_wait3A_238 = tpu.memref_squeeze %dma_wait3A_237 : memref<1x32x1024xf32, #tpu.memory_space<vmem>> -> memref<32x1024xf32, #tpu.memory_space<vmem>>
    %dma_wait3A_239 = arith.constant 0 : i32
    %dma_wait3A_240 = tpu.memref_slice %arg4[%add3A_232, %dma_wait3A_239] : memref<4096x1024xf32, #tpu.memory_space<hbm>> -> memref<32x1024xf32, #tpu.memory_space<hbm>>
    %dma_wait3A_241 = tpu.memref_slice %arg8[%dma_wait3A_234] : memref<2x!tpu.dma_semaphore, #tpu.memory_space<semaphore_mem>> -> memref<1x!tpu.dma_semaphore, #tpu.memory_space<semaphore_mem>>
    %dma_wait3A_242 = tpu.memref_squeeze %dma_wait3A_241 : memref<1x!tpu.dma_semaphore, #tpu.memory_space<semaphore_mem>> -> memref<!tpu.dma_semaphore, #tpu.memory_space<semaphore_mem>>
    %dma_wait3A_243 = arith.constant 0 : i32
    %dma_wait3A_244 = tpu.memref_slice %arg4[%add3A_232, %dma_wait3A_243] : memref<4096x1024xf32, #tpu.memory_space<hbm>> -> memref<32x1024xf32, #tpu.memory_space<hbm>>
    %dma_wait3A_245 = arith.constant 0 : i32
    %dma_wait3A_246 = arith.constant 0 : i32
    %dma_wait3A_247 = tpu.memref_slice %arg6[%dma_wait3A_233, %dma_wait3A_245, %dma_wait3A_246] : memref<2x32x1024xf32, #tpu.memory_space<vmem>> -> memref<1x32x1024xf32, #tpu.memory_space<vmem>>
    %dma_wait3A_248 = tpu.memref_squeeze %dma_wait3A_247 : memref<1x32x1024xf32, #tpu.memory_space<vmem>> -> memref<32x1024xf32, #tpu.memory_space<vmem>>
    tpu.wait_dma2 semaphore(%dma_wait3A_242 : memref<!tpu.dma_semaphore, #tpu.memory_space<semaphore_mem>>) src(%dma_wait3A_248 : memref<32x1024xf32, #tpu.memory_space<vmem>>) dst(%dma_wait3A_244 : memref<32x1024xf32, #tpu.memory_space<hbm>>)
    return
  }
}

#map = affine_map<(d0, d1) -> (0, 0)>
#map1 = affine_map<(d0, d1) -> (0)>
module attributes {stable_mosaic.version = 14 : i64} {
  func.func @scatter_k(%arg0: i32, %arg1: i32, %arg2: memref<4096x1024xf32, #tpu.memory_space<hbm>>, %arg3: memref<4096xi32, #tpu.memory_space<hbm>>, %arg4: memref<4096xi32, #tpu.memory_space<hbm>>, %arg5: memref<1x128xi32, #tpu.memory_space<hbm>>, %arg6: memref<4096x1024xf32, #tpu.memory_space<hbm>>, %arg7: memref<4096xi32, #tpu.memory_space<hbm>>, %arg8: memref<2x32xi32, #tpu.memory_space<vmem>>, %arg9: memref<2x32x1024xf32, #tpu.memory_space<vmem>>, %arg10: memref<1x128xi32, #tpu.memory_space<vmem>>, %arg11: memref<16xi32, #tpu.memory_space<vmem>>, %arg12: memref<128xi32, #tpu.memory_space<vmem>>, %arg13: memref<128xi32, #tpu.memory_space<vmem>>, %arg14: memref<2x!tpu.dma_semaphore, #tpu.memory_space<semaphore_mem>>, %arg15: memref<2x!tpu.dma_semaphore, #tpu.memory_space<semaphore_mem>>) attributes {dimension_semantics = [#tpu.dimension_semantics<core_parallel>, #tpu.dimension_semantics<subcore_parallel>], iteration_bounds = array<i64: 2, 16>, scalar_prefetch = 0 : i64, scratch_operands = 8 : i64, tpu.core_type = #tpu.core_type<sc_vector_subcore>, window_params = [{transform_indices = #map}, {transform_indices = #map1}, {transform_indices = #map1}, {transform_indices = #map}, {transform_indices = #map}, {transform_indices = #map1}]} {
    %mul3A = arith.constant 2 : i32
    %mul3A_0 = arith.muli %arg1, %mul3A : i32
    %add3A = arith.addi %mul3A_0, %arg0 : i32
    %mul3A_1 = arith.constant 128 : i32
    %mul3A_2 = arith.muli %add3A, %mul3A_1 : i32
    %add3A_3 = arith.constant 0 : i32
    %add3A_4 = arith.addi %mul3A_2, %add3A_3 : i32
    %dma_start3A = arith.constant 0 : i32
    %dma_start3A_5 = arith.constant 0 : i32
    %dma_start3A_6 = arith.constant 0 : i32
    %dma_start3A_7 = arith.constant 0 : i32
    %dma_start3A_8 = tpu.memref_slice %arg9[%dma_start3A, %dma_start3A_6, %dma_start3A_7] : memref<2x32x1024xf32, #tpu.memory_space<vmem>> -> memref<1x32x1024xf32, #tpu.memory_space<vmem>>
    %dma_start3A_9 = tpu.memref_squeeze %dma_start3A_8 : memref<1x32x1024xf32, #tpu.memory_space<vmem>> -> memref<32x1024xf32, #tpu.memory_space<vmem>>
    %dma_start3A_10 = arith.constant 0 : i32
    %dma_start3A_11 = tpu.memref_slice %arg2[%add3A_4, %dma_start3A_10] : memref<4096x1024xf32, #tpu.memory_space<hbm>> -> memref<32x1024xf32, #tpu.memory_space<hbm>>
    %dma_start3A_12 = tpu.memref_slice %arg14[%dma_start3A_5] : memref<2x!tpu.dma_semaphore, #tpu.memory_space<semaphore_mem>> -> memref<1x!tpu.dma_semaphore, #tpu.memory_space<semaphore_mem>>
    %dma_start3A_13 = tpu.memref_squeeze %dma_start3A_12 : memref<1x!tpu.dma_semaphore, #tpu.memory_space<semaphore_mem>> -> memref<!tpu.dma_semaphore, #tpu.memory_space<semaphore_mem>>
    %dma_start3A_14 = arith.constant 0 : i32
    %dma_start3A_15 = arith.constant 0 : i32
    %dma_start3A_16 = tpu.memref_slice %arg9[%dma_start3A, %dma_start3A_14, %dma_start3A_15] : memref<2x32x1024xf32, #tpu.memory_space<vmem>> -> memref<1x32x1024xf32, #tpu.memory_space<vmem>>
    %dma_start3A_17 = tpu.memref_squeeze %dma_start3A_16 : memref<1x32x1024xf32, #tpu.memory_space<vmem>> -> memref<32x1024xf32, #tpu.memory_space<vmem>>
    %dma_start3A_18 = arith.constant 0 : i32
    %dma_start3A_19 = tpu.memref_slice %arg2[%add3A_4, %dma_start3A_18] : memref<4096x1024xf32, #tpu.memory_space<hbm>> -> memref<32x1024xf32, #tpu.memory_space<hbm>>
    tpu.enqueue_dma source(%dma_start3A_19 : memref<32x1024xf32, #tpu.memory_space<hbm>>) target(%dma_start3A_17 : memref<32x1024xf32, #tpu.memory_space<vmem>>) target_semaphore(%dma_start3A_13 : memref<!tpu.dma_semaphore, #tpu.memory_space<semaphore_mem>>)
    %add3A_20 = arith.constant 32 : i32
    %add3A_21 = arith.addi %mul3A_2, %add3A_20 : i32
    %dma_start3A_22 = arith.constant 1 : i32
    %dma_start3A_23 = arith.constant 1 : i32
    %dma_start3A_24 = arith.constant 0 : i32
    %dma_start3A_25 = arith.constant 0 : i32
    %dma_start3A_26 = tpu.memref_slice %arg9[%dma_start3A_22, %dma_start3A_24, %dma_start3A_25] : memref<2x32x1024xf32, #tpu.memory_space<vmem>> -> memref<1x32x1024xf32, #tpu.memory_space<vmem>>
    %dma_start3A_27 = tpu.memref_squeeze %dma_start3A_26 : memref<1x32x1024xf32, #tpu.memory_space<vmem>> -> memref<32x1024xf32, #tpu.memory_space<vmem>>
    %dma_start3A_28 = arith.constant 0 : i32
    %dma_start3A_29 = tpu.memref_slice %arg2[%add3A_21, %dma_start3A_28] : memref<4096x1024xf32, #tpu.memory_space<hbm>> -> memref<32x1024xf32, #tpu.memory_space<hbm>>
    %dma_start3A_30 = tpu.memref_slice %arg14[%dma_start3A_23] : memref<2x!tpu.dma_semaphore, #tpu.memory_space<semaphore_mem>> -> memref<1x!tpu.dma_semaphore, #tpu.memory_space<semaphore_mem>>
    %dma_start3A_31 = tpu.memref_squeeze %dma_start3A_30 : memref<1x!tpu.dma_semaphore, #tpu.memory_space<semaphore_mem>> -> memref<!tpu.dma_semaphore, #tpu.memory_space<semaphore_mem>>
    %dma_start3A_32 = arith.constant 0 : i32
    %dma_start3A_33 = arith.constant 0 : i32
    %dma_start3A_34 = tpu.memref_slice %arg9[%dma_start3A_22, %dma_start3A_32, %dma_start3A_33] : memref<2x32x1024xf32, #tpu.memory_space<vmem>> -> memref<1x32x1024xf32, #tpu.memory_space<vmem>>
    %dma_start3A_35 = tpu.memref_squeeze %dma_start3A_34 : memref<1x32x1024xf32, #tpu.memory_space<vmem>> -> memref<32x1024xf32, #tpu.memory_space<vmem>>
    %dma_start3A_36 = arith.constant 0 : i32
    %dma_start3A_37 = tpu.memref_slice %arg2[%add3A_21, %dma_start3A_36] : memref<4096x1024xf32, #tpu.memory_space<hbm>> -> memref<32x1024xf32, #tpu.memory_space<hbm>>
    tpu.enqueue_dma source(%dma_start3A_37 : memref<32x1024xf32, #tpu.memory_space<hbm>>) target(%dma_start3A_35 : memref<32x1024xf32, #tpu.memory_space<vmem>>) target_semaphore(%dma_start3A_31 : memref<!tpu.dma_semaphore, #tpu.memory_space<semaphore_mem>>)
    "tpu.region"() ({
      %run_scoped3A = tpu.sem_alloc : memref<!tpu.dma_semaphore, #tpu.memory_space<semaphore_mem>>
      tpu.enqueue_dma source(%arg5 : memref<1x128xi32, #tpu.memory_space<hbm>>) target(%arg10 : memref<1x128xi32, #tpu.memory_space<vmem>>) target_semaphore(%run_scoped3A : memref<!tpu.dma_semaphore, #tpu.memory_space<semaphore_mem>>)
      tpu.wait_dma2 semaphore(%run_scoped3A : memref<!tpu.dma_semaphore, #tpu.memory_space<semaphore_mem>>) src(%arg5 : memref<1x128xi32, #tpu.memory_space<hbm>>) dst(%arg10 : memref<1x128xi32, #tpu.memory_space<vmem>>)
      tpu.yield
    }) : () -> ()
    %get3A = arith.constant 0 : i32
    %get3A_38 = arith.index_cast %get3A : i32 to index
    %get3A_39 = arith.constant 0 : index
    %get3A_40 = tpu.vector_load %arg10[%get3A_38, %get3A_39] {strides = array<i32>} : memref<1x128xi32, #tpu.memory_space<vmem>>, vector<16xi32>,
    %swap3A = arith.constant 0 : index
    %swap3A_41 = tpu.vector_load %arg11[%swap3A] {strides = array<i32>} : memref<16xi32, #tpu.memory_space<vmem>>, vector<16xi32>,
    tpu.vector_store %arg11[%swap3A], %get3A_40 {strides = array<i32>} : memref<16xi32, #tpu.memory_space<vmem>>, vector<16xi32>,
    "tpu.region"() ({
      %run_scoped3A = tpu.sem_alloc : memref<!tpu.dma_semaphore, #tpu.memory_space<semaphore_mem>>
      %dma_start3A_380 = tpu.memref_slice %arg3[%mul3A_2] : memref<4096xi32, #tpu.memory_space<hbm>> -> memref<128xi32, #tpu.memory_space<hbm>>
      %dma_start3A_381 = tpu.memref_slice %arg3[%mul3A_2] : memref<4096xi32, #tpu.memory_space<hbm>> -> memref<128xi32, #tpu.memory_space<hbm>>
      tpu.enqueue_dma source(%dma_start3A_381 : memref<128xi32, #tpu.memory_space<hbm>>) target(%arg12 : memref<128xi32, #tpu.memory_space<vmem>>) target_semaphore(%run_scoped3A : memref<!tpu.dma_semaphore, #tpu.memory_space<semaphore_mem>>)
      %dma_wait3A_382 = tpu.memref_slice %arg3[%mul3A_2] : memref<4096xi32, #tpu.memory_space<hbm>> -> memref<128xi32, #tpu.memory_space<hbm>>
      %dma_wait3A_383 = tpu.memref_slice %arg3[%mul3A_2] : memref<4096xi32, #tpu.memory_space<hbm>> -> memref<128xi32, #tpu.memory_space<hbm>>
      tpu.wait_dma2 semaphore(%run_scoped3A : memref<!tpu.dma_semaphore, #tpu.memory_space<semaphore_mem>>) src(%dma_wait3A_383 : memref<128xi32, #tpu.memory_space<hbm>>) dst(%arg12 : memref<128xi32, #tpu.memory_space<vmem>>)
      tpu.yield
    }) : () -> ()
    "tpu.region"() ({
      %run_scoped3A = tpu.sem_alloc : memref<!tpu.dma_semaphore, #tpu.memory_space<semaphore_mem>>
      %dma_start3A_380 = tpu.memref_slice %arg4[%mul3A_2] : memref<4096xi32, #tpu.memory_space<hbm>> -> memref<128xi32, #tpu.memory_space<hbm>>
      %dma_start3A_381 = tpu.memref_slice %arg4[%mul3A_2] : memref<4096xi32, #tpu.memory_space<hbm>> -> memref<128xi32, #tpu.memory_space<hbm>>
      tpu.enqueue_dma source(%dma_start3A_381 : memref<128xi32, #tpu.memory_space<hbm>>) target(%arg13 : memref<128xi32, #tpu.memory_space<vmem>>) target_semaphore(%run_scoped3A : memref<!tpu.dma_semaphore, #tpu.memory_space<semaphore_mem>>)
      %dma_wait3A_382 = tpu.memref_slice %arg4[%mul3A_2] : memref<4096xi32, #tpu.memory_space<hbm>> -> memref<128xi32, #tpu.memory_space<hbm>>
      %dma_wait3A_383 = tpu.memref_slice %arg4[%mul3A_2] : memref<4096xi32, #tpu.memory_space<hbm>> -> memref<128xi32, #tpu.memory_space<hbm>>
      tpu.wait_dma2 semaphore(%run_scoped3A : memref<!tpu.dma_semaphore, #tpu.memory_space<semaphore_mem>>) src(%dma_wait3A_383 : memref<128xi32, #tpu.memory_space<hbm>>) dst(%arg13 : memref<128xi32, #tpu.memory_space<vmem>>)
      tpu.yield
    }) : () -> ()
    %get3A_42 = arith.constant 0 : index
    %get3A_43 = tpu.vector_load %arg12[%get3A_42] {strides = array<i32>} : memref<128xi32, #tpu.memory_space<vmem>>, vector<16xi32>,
    %get3A_44 = arith.constant 0 : index
    %get3A_45 = tpu.vector_load %arg13[%get3A_44] {strides = array<i32>} : memref<128xi32, #tpu.memory_space<vmem>>, vector<16xi32>,
    %gather3A = tpu.vector_load_idx %arg11[%get3A_43] : memref<16xi32, #tpu.memory_space<vmem>>[vector<16xi32>], vector<16xi32>,
    %add3A_46 = arith.addi %gather3A, %get3A_45 : vector<16xi32>
    %swap3A_47 = arith.constant 0 : index
    %swap3A_48 = tpu.vector_load %arg13[%swap3A_47] {strides = array<i32>} : memref<128xi32, #tpu.memory_space<vmem>>, vector<16xi32>,
    tpu.vector_store %arg13[%swap3A_47], %add3A_46 {strides = array<i32>} : memref<128xi32, #tpu.memory_space<vmem>>, vector<16xi32>,
    %get3A_49 = arith.constant 16 : index
    %get3A_50 = tpu.vector_load %arg12[%get3A_49] {strides = array<i32>} : memref<128xi32, #tpu.memory_space<vmem>>, vector<16xi32>,
    %get3A_51 = arith.constant 16 : index
    %get3A_52 = tpu.vector_load %arg13[%get3A_51] {strides = array<i32>} : memref<128xi32, #tpu.memory_space<vmem>>, vector<16xi32>,
    %gather3A_53 = tpu.vector_load_idx %arg11[%get3A_50] : memref<16xi32, #tpu.memory_space<vmem>>[vector<16xi32>], vector<16xi32>,
    %add3A_54 = arith.addi %gather3A_53, %get3A_52 : vector<16xi32>
    %swap3A_55 = arith.constant 16 : index
    %swap3A_56 = tpu.vector_load %arg13[%swap3A_55] {strides = array<i32>} : memref<128xi32, #tpu.memory_space<vmem>>, vector<16xi32>,
    tpu.vector_store %arg13[%swap3A_55], %add3A_54 {strides = array<i32>} : memref<128xi32, #tpu.memory_space<vmem>>, vector<16xi32>,
    %get3A_57 = arith.constant 32 : index
    %get3A_58 = tpu.vector_load %arg12[%get3A_57] {strides = array<i32>} : memref<128xi32, #tpu.memory_space<vmem>>, vector<16xi32>,
    %get3A_59 = arith.constant 32 : index
    %get3A_60 = tpu.vector_load %arg13[%get3A_59] {strides = array<i32>} : memref<128xi32, #tpu.memory_space<vmem>>, vector<16xi32>,
    %gather3A_61 = tpu.vector_load_idx %arg11[%get3A_58] : memref<16xi32, #tpu.memory_space<vmem>>[vector<16xi32>], vector<16xi32>,
    %add3A_62 = arith.addi %gather3A_61, %get3A_60 : vector<16xi32>
    %swap3A_63 = arith.constant 32 : index
    %swap3A_64 = tpu.vector_load %arg13[%swap3A_63] {strides = array<i32>} : memref<128xi32, #tpu.memory_space<vmem>>, vector<16xi32>,
    tpu.vector_store %arg13[%swap3A_63], %add3A_62 {strides = array<i32>} : memref<128xi32, #tpu.memory_space<vmem>>, vector<16xi32>,
    %get3A_65 = arith.constant 48 : index
    %get3A_66 = tpu.vector_load %arg12[%get3A_65] {strides = array<i32>} : memref<128xi32, #tpu.memory_space<vmem>>, vector<16xi32>,
    %get3A_67 = arith.constant 48 : index
    %get3A_68 = tpu.vector_load %arg13[%get3A_67] {strides = array<i32>} : memref<128xi32, #tpu.memory_space<vmem>>, vector<16xi32>,
    %gather3A_69 = tpu.vector_load_idx %arg11[%get3A_66] : memref<16xi32, #tpu.memory_space<vmem>>[vector<16xi32>], vector<16xi32>,
    %add3A_70 = arith.addi %gather3A_69, %get3A_68 : vector<16xi32>
    %swap3A_71 = arith.constant 48 : index
    %swap3A_72 = tpu.vector_load %arg13[%swap3A_71] {strides = array<i32>} : memref<128xi32, #tpu.memory_space<vmem>>, vector<16xi32>,
    tpu.vector_store %arg13[%swap3A_71], %add3A_70 {strides = array<i32>} : memref<128xi32, #tpu.memory_space<vmem>>, vector<16xi32>,
    %get3A_73 = arith.constant 64 : index
    %get3A_74 = tpu.vector_load %arg12[%get3A_73] {strides = array<i32>} : memref<128xi32, #tpu.memory_space<vmem>>, vector<16xi32>,
    %get3A_75 = arith.constant 64 : index
    %get3A_76 = tpu.vector_load %arg13[%get3A_75] {strides = array<i32>} : memref<128xi32, #tpu.memory_space<vmem>>, vector<16xi32>,
    %gather3A_77 = tpu.vector_load_idx %arg11[%get3A_74] : memref<16xi32, #tpu.memory_space<vmem>>[vector<16xi32>], vector<16xi32>,
    %add3A_78 = arith.addi %gather3A_77, %get3A_76 : vector<16xi32>
    %swap3A_79 = arith.constant 64 : index
    %swap3A_80 = tpu.vector_load %arg13[%swap3A_79] {strides = array<i32>} : memref<128xi32, #tpu.memory_space<vmem>>, vector<16xi32>,
    tpu.vector_store %arg13[%swap3A_79], %add3A_78 {strides = array<i32>} : memref<128xi32, #tpu.memory_space<vmem>>, vector<16xi32>,
    %get3A_81 = arith.constant 80 : index
    %get3A_82 = tpu.vector_load %arg12[%get3A_81] {strides = array<i32>} : memref<128xi32, #tpu.memory_space<vmem>>, vector<16xi32>,
    %get3A_83 = arith.constant 80 : index
    %get3A_84 = tpu.vector_load %arg13[%get3A_83] {strides = array<i32>} : memref<128xi32, #tpu.memory_space<vmem>>, vector<16xi32>,
    %gather3A_85 = tpu.vector_load_idx %arg11[%get3A_82] : memref<16xi32, #tpu.memory_space<vmem>>[vector<16xi32>], vector<16xi32>,
    %add3A_86 = arith.addi %gather3A_85, %get3A_84 : vector<16xi32>
    %swap3A_87 = arith.constant 80 : index
    %swap3A_88 = tpu.vector_load %arg13[%swap3A_87] {strides = array<i32>} : memref<128xi32, #tpu.memory_space<vmem>>, vector<16xi32>,
    tpu.vector_store %arg13[%swap3A_87], %add3A_86 {strides = array<i32>} : memref<128xi32, #tpu.memory_space<vmem>>, vector<16xi32>,
    %get3A_89 = arith.constant 96 : index
    %get3A_90 = tpu.vector_load %arg12[%get3A_89] {strides = array<i32>} : memref<128xi32, #tpu.memory_space<vmem>>, vector<16xi32>,
    %get3A_91 = arith.constant 96 : index
    %get3A_92 = tpu.vector_load %arg13[%get3A_91] {strides = array<i32>} : memref<128xi32, #tpu.memory_space<vmem>>, vector<16xi32>,
    %gather3A_93 = tpu.vector_load_idx %arg11[%get3A_90] : memref<16xi32, #tpu.memory_space<vmem>>[vector<16xi32>], vector<16xi32>,
    %add3A_94 = arith.addi %gather3A_93, %get3A_92 : vector<16xi32>
    %swap3A_95 = arith.constant 96 : index
    %swap3A_96 = tpu.vector_load %arg13[%swap3A_95] {strides = array<i32>} : memref<128xi32, #tpu.memory_space<vmem>>, vector<16xi32>,
    tpu.vector_store %arg13[%swap3A_95], %add3A_94 {strides = array<i32>} : memref<128xi32, #tpu.memory_space<vmem>>, vector<16xi32>,
    %get3A_97 = arith.constant 112 : index
    %get3A_98 = tpu.vector_load %arg12[%get3A_97] {strides = array<i32>} : memref<128xi32, #tpu.memory_space<vmem>>, vector<16xi32>,
    %get3A_99 = arith.constant 112 : index
    %get3A_100 = tpu.vector_load %arg13[%get3A_99] {strides = array<i32>} : memref<128xi32, #tpu.memory_space<vmem>>, vector<16xi32>,
    %gather3A_101 = tpu.vector_load_idx %arg11[%get3A_98] : memref<16xi32, #tpu.memory_space<vmem>>[vector<16xi32>], vector<16xi32>,
    %add3A_102 = arith.addi %gather3A_101, %get3A_100 : vector<16xi32>
    %swap3A_103 = arith.constant 112 : index
    %swap3A_104 = tpu.vector_load %arg13[%swap3A_103] {strides = array<i32>} : memref<128xi32, #tpu.memory_space<vmem>>, vector<16xi32>,
    tpu.vector_store %arg13[%swap3A_103], %add3A_102 {strides = array<i32>} : memref<128xi32, #tpu.memory_space<vmem>>, vector<16xi32>,
    "tpu.region"() ({
      %run_scoped3A = tpu.sem_alloc : memref<!tpu.dma_semaphore, #tpu.memory_space<semaphore_mem>>
      %dma_start3A_380 = tpu.memref_slice %arg7[%mul3A_2] : memref<4096xi32, #tpu.memory_space<hbm>> -> memref<128xi32, #tpu.memory_space<hbm>>
      %dma_start3A_381 = tpu.memref_slice %arg7[%mul3A_2] : memref<4096xi32, #tpu.memory_space<hbm>> -> memref<128xi32, #tpu.memory_space<hbm>>
      tpu.enqueue_dma source(%arg13 : memref<128xi32, #tpu.memory_space<vmem>>) target(%dma_start3A_381 : memref<128xi32, #tpu.memory_space<hbm>>) target_semaphore(%run_scoped3A : memref<!tpu.dma_semaphore, #tpu.memory_space<semaphore_mem>>)
      %dma_wait3A_382 = tpu.memref_slice %arg7[%mul3A_2] : memref<4096xi32, #tpu.memory_space<hbm>> -> memref<128xi32, #tpu.memory_space<hbm>>
      %dma_wait3A_383 = tpu.memref_slice %arg7[%mul3A_2] : memref<4096xi32, #tpu.memory_space<hbm>> -> memref<128xi32, #tpu.memory_space<hbm>>
      tpu.wait_dma2 semaphore(%run_scoped3A : memref<!tpu.dma_semaphore, #tpu.memory_space<semaphore_mem>>) src(%arg13 : memref<128xi32, #tpu.memory_space<vmem>>) dst(%dma_wait3A_383 : memref<128xi32, #tpu.memory_space<hbm>>)
      tpu.yield
    }) : () -> ()
    %get3A_105 = arith.constant 0 : index
    %get3A_106 = tpu.vector_load %arg13[%get3A_105] {strides = array<i32>} : memref<128xi32, #tpu.memory_space<vmem>>, vector<16xi32>,
    %swap3A_107 = arith.constant 0 : i32
    %swap3A_108 = arith.index_cast %swap3A_107 : i32 to index
    %swap3A_109 = arith.constant 0 : index
    %swap3A_110 = tpu.vector_load %arg8[%swap3A_108, %swap3A_109] {strides = array<i32>} : memref<2x32xi32, #tpu.memory_space<vmem>>, vector<16xi32>,
    tpu.vector_store %arg8[%swap3A_108, %swap3A_109], %get3A_106 {strides = array<i32>} : memref<2x32xi32, #tpu.memory_space<vmem>>, vector<16xi32>,
    %get3A_111 = arith.constant 16 : index
    %get3A_112 = tpu.vector_load %arg13[%get3A_111] {strides = array<i32>} : memref<128xi32, #tpu.memory_space<vmem>>, vector<16xi32>,
    %swap3A_113 = arith.constant 0 : i32
    %swap3A_114 = arith.index_cast %swap3A_113 : i32 to index
    %swap3A_115 = arith.constant 16 : index
    %swap3A_116 = tpu.vector_load %arg8[%swap3A_114, %swap3A_115] {strides = array<i32>} : memref<2x32xi32, #tpu.memory_space<vmem>>, vector<16xi32>,
    tpu.vector_store %arg8[%swap3A_114, %swap3A_115], %get3A_112 {strides = array<i32>} : memref<2x32xi32, #tpu.memory_space<vmem>>, vector<16xi32>,
    %add3A_117 = arith.constant 0 : i32
    %add3A_118 = arith.addi %mul3A_2, %add3A_117 : i32
    %dma_wait3A = arith.constant 0 : i32
    %dma_wait3A_119 = arith.constant 0 : i32
    %dma_wait3A_120 = arith.constant 0 : i32
    %dma_wait3A_121 = arith.constant 0 : i32
    %dma_wait3A_122 = tpu.memref_slice %arg9[%dma_wait3A, %dma_wait3A_120, %dma_wait3A_121] : memref<2x32x1024xf32, #tpu.memory_space<vmem>> -> memref<1x32x1024xf32, #tpu.memory_space<vmem>>
    %dma_wait3A_123 = tpu.memref_squeeze %dma_wait3A_122 : memref<1x32x1024xf32, #tpu.memory_space<vmem>> -> memref<32x1024xf32, #tpu.memory_space<vmem>>
    %dma_wait3A_124 = arith.constant 0 : i32
    %dma_wait3A_125 = tpu.memref_slice %arg2[%add3A_118, %dma_wait3A_124] : memref<4096x1024xf32, #tpu.memory_space<hbm>> -> memref<32x1024xf32, #tpu.memory_space<hbm>>
    %dma_wait3A_126 = tpu.memref_slice %arg14[%dma_wait3A_119] : memref<2x!tpu.dma_semaphore, #tpu.memory_space<semaphore_mem>> -> memref<1x!tpu.dma_semaphore, #tpu.memory_space<semaphore_mem>>
    %dma_wait3A_127 = tpu.memref_squeeze %dma_wait3A_126 : memref<1x!tpu.dma_semaphore, #tpu.memory_space<semaphore_mem>> -> memref<!tpu.dma_semaphore, #tpu.memory_space<semaphore_mem>>
    %dma_wait3A_128 = arith.constant 0 : i32
    %dma_wait3A_129 = arith.constant 0 : i32
    %dma_wait3A_130 = tpu.memref_slice %arg9[%dma_wait3A, %dma_wait3A_128, %dma_wait3A_129] : memref<2x32x1024xf32, #tpu.memory_space<vmem>> -> memref<1x32x1024xf32, #tpu.memory_space<vmem>>
    %dma_wait3A_131 = tpu.memref_squeeze %dma_wait3A_130 : memref<1x32x1024xf32, #tpu.memory_space<vmem>> -> memref<32x1024xf32, #tpu.memory_space<vmem>>
    %dma_wait3A_132 = arith.constant 0 : i32
    %dma_wait3A_133 = tpu.memref_slice %arg2[%add3A_118, %dma_wait3A_132] : memref<4096x1024xf32, #tpu.memory_space<hbm>> -> memref<32x1024xf32, #tpu.memory_space<hbm>>
    tpu.wait_dma2 semaphore(%dma_wait3A_127 : memref<!tpu.dma_semaphore, #tpu.memory_space<semaphore_mem>>) src(%dma_wait3A_133 : memref<32x1024xf32, #tpu.memory_space<hbm>>) dst(%dma_wait3A_131 : memref<32x1024xf32, #tpu.memory_space<vmem>>)
    %dma_start3A_134 = arith.constant 0 : i32
    %dma_start3A_135 = arith.constant 0 : i32
    %dma_start3A_136 = arith.constant 0 : i32
    %dma_start3A_137 = arith.constant 0 : i32
    %dma_start3A_138 = arith.constant 0 : i32
    %dma_start3A_139 = tpu.memref_slice %arg9[%dma_start3A_134, %dma_start3A_137, %dma_start3A_138] : memref<2x32x1024xf32, #tpu.memory_space<vmem>> -> memref<1x32x1024xf32, #tpu.memory_space<vmem>>
    %dma_start3A_140 = tpu.memref_squeeze %dma_start3A_139 : memref<1x32x1024xf32, #tpu.memory_space<vmem>> -> memref<32x1024xf32, #tpu.memory_space<vmem>>
    %dma_start3A_141 = arith.constant 0 : i32
    %dma_start3A_142 = tpu.memref_slice %arg8[%dma_start3A_135, %dma_start3A_141] : memref<2x32xi32, #tpu.memory_space<vmem>> -> memref<1x32xi32, #tpu.memory_space<vmem>>
    %dma_start3A_143 = tpu.memref_squeeze %dma_start3A_142 : memref<1x32xi32, #tpu.memory_space<vmem>> -> memref<32xi32, #tpu.memory_space<vmem>>
    %dma_start3A_144 = arith.constant 0 : i32
    %dma_start3A_145 = arith.constant 0 : i32
    %dma_start3A_146 = tpu.memref_slice %arg6[%dma_start3A_144, %dma_start3A_145] : memref<4096x1024xf32, #tpu.memory_space<hbm>> -> memref<4096x1024xf32, #tpu.memory_space<hbm>>
    %dma_start3A_147 = tpu.memref_slice %arg15[%dma_start3A_136] : memref<2x!tpu.dma_semaphore, #tpu.memory_space<semaphore_mem>> -> memref<1x!tpu.dma_semaphore, #tpu.memory_space<semaphore_mem>>
    %dma_start3A_148 = tpu.memref_squeeze %dma_start3A_147 : memref<1x!tpu.dma_semaphore, #tpu.memory_space<semaphore_mem>> -> memref<!tpu.dma_semaphore, #tpu.memory_space<semaphore_mem>>
    tpu.enqueue_indirect_dma source(%dma_start3A_140 : memref<32x1024xf32, #tpu.memory_space<vmem>>) target(%dma_start3A_146 : memref<4096x1024xf32, #tpu.memory_space<hbm>>) offsets(%dma_start3A_143 : memref<32xi32, #tpu.memory_space<vmem>>) semaphore(%dma_start3A_148 : memref<!tpu.dma_semaphore, #tpu.memory_space<semaphore_mem>>)
    %dma_wait3A_149 = arith.constant 0 : i32
    %dma_wait3A_150 = arith.constant 0 : i32
    %dma_wait3A_151 = arith.constant 0 : i32
    %dma_wait3A_152 = arith.constant 0 : i32
    %dma_wait3A_153 = arith.constant 0 : i32
    %dma_wait3A_154 = tpu.memref_slice %arg9[%dma_wait3A_149, %dma_wait3A_152, %dma_wait3A_153] : memref<2x32x1024xf32, #tpu.memory_space<vmem>> -> memref<1x32x1024xf32, #tpu.memory_space<vmem>>
    %dma_wait3A_155 = tpu.memref_squeeze %dma_wait3A_154 : memref<1x32x1024xf32, #tpu.memory_space<vmem>> -> memref<32x1024xf32, #tpu.memory_space<vmem>>
    %dma_wait3A_156 = arith.constant 0 : i32
    %dma_wait3A_157 = tpu.memref_slice %arg8[%dma_wait3A_150, %dma_wait3A_156] : memref<2x32xi32, #tpu.memory_space<vmem>> -> memref<1x32xi32, #tpu.memory_space<vmem>>
    %dma_wait3A_158 = tpu.memref_squeeze %dma_wait3A_157 : memref<1x32xi32, #tpu.memory_space<vmem>> -> memref<32xi32, #tpu.memory_space<vmem>>
    %dma_wait3A_159 = arith.constant 0 : i32
    %dma_wait3A_160 = arith.constant 0 : i32
    %dma_wait3A_161 = tpu.memref_slice %arg6[%dma_wait3A_159, %dma_wait3A_160] : memref<4096x1024xf32, #tpu.memory_space<hbm>> -> memref<4096x1024xf32, #tpu.memory_space<hbm>>
    %dma_wait3A_162 = tpu.memref_slice %arg15[%dma_wait3A_151] : memref<2x!tpu.dma_semaphore, #tpu.memory_space<semaphore_mem>> -> memref<1x!tpu.dma_semaphore, #tpu.memory_space<semaphore_mem>>
    %dma_wait3A_163 = tpu.memref_squeeze %dma_wait3A_162 : memref<1x!tpu.dma_semaphore, #tpu.memory_space<semaphore_mem>> -> memref<!tpu.dma_semaphore, #tpu.memory_space<semaphore_mem>>
    tpu.wait_indirect_dma semaphore(%dma_wait3A_163 : memref<!tpu.dma_semaphore, #tpu.memory_space<semaphore_mem>>) src(%dma_wait3A_155 : memref<32x1024xf32, #tpu.memory_space<vmem>>) dst(%dma_wait3A_161 : memref<4096x1024xf32, #tpu.memory_space<hbm>>)
    %add3A_164 = arith.constant 64 : i32
    %add3A_165 = arith.addi %mul3A_2, %add3A_164 : i32
    %dma_start3A_166 = arith.constant 0 : i32
    %dma_start3A_167 = arith.constant 0 : i32
    %dma_start3A_168 = arith.constant 0 : i32
    %dma_start3A_169 = arith.constant 0 : i32
    %dma_start3A_170 = tpu.memref_slice %arg9[%dma_start3A_166, %dma_start3A_168, %dma_start3A_169] : memref<2x32x1024xf32, #tpu.memory_space<vmem>> -> memref<1x32x1024xf32, #tpu.memory_space<vmem>>
    %dma_start3A_171 = tpu.memref_squeeze %dma_start3A_170 : memref<1x32x1024xf32, #tpu.memory_space<vmem>> -> memref<32x1024xf32, #tpu.memory_space<vmem>>
    %dma_start3A_172 = arith.constant 0 : i32
    %dma_start3A_173 = tpu.memref_slice %arg2[%add3A_165, %dma_start3A_172] : memref<4096x1024xf32, #tpu.memory_space<hbm>> -> memref<32x1024xf32, #tpu.memory_space<hbm>>
    %dma_start3A_174 = tpu.memref_slice %arg14[%dma_start3A_167] : memref<2x!tpu.dma_semaphore, #tpu.memory_space<semaphore_mem>> -> memref<1x!tpu.dma_semaphore, #tpu.memory_space<semaphore_mem>>
    %dma_start3A_175 = tpu.memref_squeeze %dma_start3A_174 : memref<1x!tpu.dma_semaphore, #tpu.memory_space<semaphore_mem>> -> memref<!tpu.dma_semaphore, #tpu.memory_space<semaphore_mem>>
    %dma_start3A_176 = arith.constant 0 : i32
    %dma_start3A_177 = arith.constant 0 : i32
    %dma_start3A_178 = tpu.memref_slice %arg9[%dma_start3A_166, %dma_start3A_176, %dma_start3A_177] : memref<2x32x1024xf32, #tpu.memory_space<vmem>> -> memref<1x32x1024xf32, #tpu.memory_space<vmem>>
    %dma_start3A_179 = tpu.memref_squeeze %dma_start3A_178 : memref<1x32x1024xf32, #tpu.memory_space<vmem>> -> memref<32x1024xf32, #tpu.memory_space<vmem>>
    %dma_start3A_180 = arith.constant 0 : i32
    %dma_start3A_181 = tpu.memref_slice %arg2[%add3A_165, %dma_start3A_180] : memref<4096x1024xf32, #tpu.memory_space<hbm>> -> memref<32x1024xf32, #tpu.memory_space<hbm>>
    tpu.enqueue_dma source(%dma_start3A_181 : memref<32x1024xf32, #tpu.memory_space<hbm>>) target(%dma_start3A_179 : memref<32x1024xf32, #tpu.memory_space<vmem>>) target_semaphore(%dma_start3A_175 : memref<!tpu.dma_semaphore, #tpu.memory_space<semaphore_mem>>)
    %get3A_182 = arith.constant 32 : index
    %get3A_183 = tpu.vector_load %arg13[%get3A_182] {strides = array<i32>} : memref<128xi32, #tpu.memory_space<vmem>>, vector<16xi32>,
    %swap3A_184 = arith.constant 1 : i32
    %swap3A_185 = arith.index_cast %swap3A_184 : i32 to index
    %swap3A_186 = arith.constant 0 : index
    %swap3A_187 = tpu.vector_load %arg8[%swap3A_185, %swap3A_186] {strides = array<i32>} : memref<2x32xi32, #tpu.memory_space<vmem>>, vector<16xi32>,
    tpu.vector_store %arg8[%swap3A_185, %swap3A_186], %get3A_183 {strides = array<i32>} : memref<2x32xi32, #tpu.memory_space<vmem>>, vector<16xi32>,
    %get3A_188 = arith.constant 48 : index
    %get3A_189 = tpu.vector_load %arg13[%get3A_188] {strides = array<i32>} : memref<128xi32, #tpu.memory_space<vmem>>, vector<16xi32>,
    %swap3A_190 = arith.constant 1 : i32
    %swap3A_191 = arith.index_cast %swap3A_190 : i32 to index
    %swap3A_192 = arith.constant 16 : index
    %swap3A_193 = tpu.vector_load %arg8[%swap3A_191, %swap3A_192] {strides = array<i32>} : memref<2x32xi32, #tpu.memory_space<vmem>>, vector<16xi32>,
    tpu.vector_store %arg8[%swap3A_191, %swap3A_192], %get3A_189 {strides = array<i32>} : memref<2x32xi32, #tpu.memory_space<vmem>>, vector<16xi32>,
    %add3A_194 = arith.constant 32 : i32
    %add3A_195 = arith.addi %mul3A_2, %add3A_194 : i32
    %dma_wait3A_196 = arith.constant 1 : i32
    %dma_wait3A_197 = arith.constant 1 : i32
    %dma_wait3A_198 = arith.constant 0 : i32
    %dma_wait3A_199 = arith.constant 0 : i32
    %dma_wait3A_200 = tpu.memref_slice %arg9[%dma_wait3A_196, %dma_wait3A_198, %dma_wait3A_199] : memref<2x32x1024xf32, #tpu.memory_space<vmem>> -> memref<1x32x1024xf32, #tpu.memory_space<vmem>>
    %dma_wait3A_201 = tpu.memref_squeeze %dma_wait3A_200 : memref<1x32x1024xf32, #tpu.memory_space<vmem>> -> memref<32x1024xf32, #tpu.memory_space<vmem>>
    %dma_wait3A_202 = arith.constant 0 : i32
    %dma_wait3A_203 = tpu.memref_slice %arg2[%add3A_195, %dma_wait3A_202] : memref<4096x1024xf32, #tpu.memory_space<hbm>> -> memref<32x1024xf32, #tpu.memory_space<hbm>>
    %dma_wait3A_204 = tpu.memref_slice %arg14[%dma_wait3A_197] : memref<2x!tpu.dma_semaphore, #tpu.memory_space<semaphore_mem>> -> memref<1x!tpu.dma_semaphore, #tpu.memory_space<semaphore_mem>>
    %dma_wait3A_205 = tpu.memref_squeeze %dma_wait3A_204 : memref<1x!tpu.dma_semaphore, #tpu.memory_space<semaphore_mem>> -> memref<!tpu.dma_semaphore, #tpu.memory_space<semaphore_mem>>
    %dma_wait3A_206 = arith.constant 0 : i32
    %dma_wait3A_207 = arith.constant 0 : i32
    %dma_wait3A_208 = tpu.memref_slice %arg9[%dma_wait3A_196, %dma_wait3A_206, %dma_wait3A_207] : memref<2x32x1024xf32, #tpu.memory_space<vmem>> -> memref<1x32x1024xf32, #tpu.memory_space<vmem>>
    %dma_wait3A_209 = tpu.memref_squeeze %dma_wait3A_208 : memref<1x32x1024xf32, #tpu.memory_space<vmem>> -> memref<32x1024xf32, #tpu.memory_space<vmem>>
    %dma_wait3A_210 = arith.constant 0 : i32
    %dma_wait3A_211 = tpu.memref_slice %arg2[%add3A_195, %dma_wait3A_210] : memref<4096x1024xf32, #tpu.memory_space<hbm>> -> memref<32x1024xf32, #tpu.memory_space<hbm>>
    tpu.wait_dma2 semaphore(%dma_wait3A_205 : memref<!tpu.dma_semaphore, #tpu.memory_space<semaphore_mem>>) src(%dma_wait3A_211 : memref<32x1024xf32, #tpu.memory_space<hbm>>) dst(%dma_wait3A_209 : memref<32x1024xf32, #tpu.memory_space<vmem>>)
    %dma_start3A_212 = arith.constant 1 : i32
    %dma_start3A_213 = arith.constant 1 : i32
    %dma_start3A_214 = arith.constant 1 : i32
    %dma_start3A_215 = arith.constant 0 : i32
    %dma_start3A_216 = arith.constant 0 : i32
    %dma_start3A_217 = tpu.memref_slice %arg9[%dma_start3A_212, %dma_start3A_215, %dma_start3A_216] : memref<2x32x1024xf32, #tpu.memory_space<vmem>> -> memref<1x32x1024xf32, #tpu.memory_space<vmem>>
    %dma_start3A_218 = tpu.memref_squeeze %dma_start3A_217 : memref<1x32x1024xf32, #tpu.memory_space<vmem>> -> memref<32x1024xf32, #tpu.memory_space<vmem>>
    %dma_start3A_219 = arith.constant 0 : i32
    %dma_start3A_220 = tpu.memref_slice %arg8[%dma_start3A_213, %dma_start3A_219] : memref<2x32xi32, #tpu.memory_space<vmem>> -> memref<1x32xi32, #tpu.memory_space<vmem>>
    %dma_start3A_221 = tpu.memref_squeeze %dma_start3A_220 : memref<1x32xi32, #tpu.memory_space<vmem>> -> memref<32xi32, #tpu.memory_space<vmem>>
    %dma_start3A_222 = arith.constant 0 : i32
    %dma_start3A_223 = arith.constant 0 : i32
    %dma_start3A_224 = tpu.memref_slice %arg6[%dma_start3A_222, %dma_start3A_223] : memref<4096x1024xf32, #tpu.memory_space<hbm>> -> memref<4096x1024xf32, #tpu.memory_space<hbm>>
    %dma_start3A_225 = tpu.memref_slice %arg15[%dma_start3A_214] : memref<2x!tpu.dma_semaphore, #tpu.memory_space<semaphore_mem>> -> memref<1x!tpu.dma_semaphore, #tpu.memory_space<semaphore_mem>>
    %dma_start3A_226 = tpu.memref_squeeze %dma_start3A_225 : memref<1x!tpu.dma_semaphore, #tpu.memory_space<semaphore_mem>> -> memref<!tpu.dma_semaphore, #tpu.memory_space<semaphore_mem>>
    tpu.enqueue_indirect_dma source(%dma_start3A_218 : memref<32x1024xf32, #tpu.memory_space<vmem>>) target(%dma_start3A_224 : memref<4096x1024xf32, #tpu.memory_space<hbm>>) offsets(%dma_start3A_221 : memref<32xi32, #tpu.memory_space<vmem>>) semaphore(%dma_start3A_226 : memref<!tpu.dma_semaphore, #tpu.memory_space<semaphore_mem>>)
    %dma_wait3A_227 = arith.constant 1 : i32
    %dma_wait3A_228 = arith.constant 1 : i32
    %dma_wait3A_229 = arith.constant 1 : i32
    %dma_wait3A_230 = arith.constant 0 : i32
    %dma_wait3A_231 = arith.constant 0 : i32
    %dma_wait3A_232 = tpu.memref_slice %arg9[%dma_wait3A_227, %dma_wait3A_230, %dma_wait3A_231] : memref<2x32x1024xf32, #tpu.memory_space<vmem>> -> memref<1x32x1024xf32, #tpu.memory_space<vmem>>
    %dma_wait3A_233 = tpu.memref_squeeze %dma_wait3A_232 : memref<1x32x1024xf32, #tpu.memory_space<vmem>> -> memref<32x1024xf32, #tpu.memory_space<vmem>>
    %dma_wait3A_234 = arith.constant 0 : i32
    %dma_wait3A_235 = tpu.memref_slice %arg8[%dma_wait3A_228, %dma_wait3A_234] : memref<2x32xi32, #tpu.memory_space<vmem>> -> memref<1x32xi32, #tpu.memory_space<vmem>>
    %dma_wait3A_236 = tpu.memref_squeeze %dma_wait3A_235 : memref<1x32xi32, #tpu.memory_space<vmem>> -> memref<32xi32, #tpu.memory_space<vmem>>
    %dma_wait3A_237 = arith.constant 0 : i32
    %dma_wait3A_238 = arith.constant 0 : i32
    %dma_wait3A_239 = tpu.memref_slice %arg6[%dma_wait3A_237, %dma_wait3A_238] : memref<4096x1024xf32, #tpu.memory_space<hbm>> -> memref<4096x1024xf32, #tpu.memory_space<hbm>>
    %dma_wait3A_240 = tpu.memref_slice %arg15[%dma_wait3A_229] : memref<2x!tpu.dma_semaphore, #tpu.memory_space<semaphore_mem>> -> memref<1x!tpu.dma_semaphore, #tpu.memory_space<semaphore_mem>>
    %dma_wait3A_241 = tpu.memref_squeeze %dma_wait3A_240 : memref<1x!tpu.dma_semaphore, #tpu.memory_space<semaphore_mem>> -> memref<!tpu.dma_semaphore, #tpu.memory_space<semaphore_mem>>
    tpu.wait_indirect_dma semaphore(%dma_wait3A_241 : memref<!tpu.dma_semaphore, #tpu.memory_space<semaphore_mem>>) src(%dma_wait3A_233 : memref<32x1024xf32, #tpu.memory_space<vmem>>) dst(%dma_wait3A_239 : memref<4096x1024xf32, #tpu.memory_space<hbm>>)
    %add3A_242 = arith.constant 96 : i32
    %add3A_243 = arith.addi %mul3A_2, %add3A_242 : i32
    %dma_start3A_244 = arith.constant 1 : i32
    %dma_start3A_245 = arith.constant 1 : i32
    %dma_start3A_246 = arith.constant 0 : i32
    %dma_start3A_247 = arith.constant 0 : i32
    %dma_start3A_248 = tpu.memref_slice %arg9[%dma_start3A_244, %dma_start3A_246, %dma_start3A_247] : memref<2x32x1024xf32, #tpu.memory_space<vmem>> -> memref<1x32x1024xf32, #tpu.memory_space<vmem>>
    %dma_start3A_249 = tpu.memref_squeeze %dma_start3A_248 : memref<1x32x1024xf32, #tpu.memory_space<vmem>> -> memref<32x1024xf32, #tpu.memory_space<vmem>>
    %dma_start3A_250 = arith.constant 0 : i32
    %dma_start3A_251 = tpu.memref_slice %arg2[%add3A_243, %dma_start3A_250] : memref<4096x1024xf32, #tpu.memory_space<hbm>> -> memref<32x1024xf32, #tpu.memory_space<hbm>>
    %dma_start3A_252 = tpu.memref_slice %arg14[%dma_start3A_245] : memref<2x!tpu.dma_semaphore, #tpu.memory_space<semaphore_mem>> -> memref<1x!tpu.dma_semaphore, #tpu.memory_space<semaphore_mem>>
    %dma_start3A_253 = tpu.memref_squeeze %dma_start3A_252 : memref<1x!tpu.dma_semaphore, #tpu.memory_space<semaphore_mem>> -> memref<!tpu.dma_semaphore, #tpu.memory_space<semaphore_mem>>
    %dma_start3A_254 = arith.constant 0 : i32
    %dma_start3A_255 = arith.constant 0 : i32
    %dma_start3A_256 = tpu.memref_slice %arg9[%dma_start3A_244, %dma_start3A_254, %dma_start3A_255] : memref<2x32x1024xf32, #tpu.memory_space<vmem>> -> memref<1x32x1024xf32, #tpu.memory_space<vmem>>
    %dma_start3A_257 = tpu.memref_squeeze %dma_start3A_256 : memref<1x32x1024xf32, #tpu.memory_space<vmem>> -> memref<32x1024xf32, #tpu.memory_space<vmem>>
    %dma_start3A_258 = arith.constant 0 : i32
    %dma_start3A_259 = tpu.memref_slice %arg2[%add3A_243, %dma_start3A_258] : memref<4096x1024xf32, #tpu.memory_space<hbm>> -> memref<32x1024xf32, #tpu.memory_space<hbm>>
    tpu.enqueue_dma source(%dma_start3A_259 : memref<32x1024xf32, #tpu.memory_space<hbm>>) target(%dma_start3A_257 : memref<32x1024xf32, #tpu.memory_space<vmem>>) target_semaphore(%dma_start3A_253 : memref<!tpu.dma_semaphore, #tpu.memory_space<semaphore_mem>>)
    %get3A_260 = arith.constant 64 : index
    %get3A_261 = tpu.vector_load %arg13[%get3A_260] {strides = array<i32>} : memref<128xi32, #tpu.memory_space<vmem>>, vector<16xi32>,
    %swap3A_262 = arith.constant 0 : i32
    %swap3A_263 = arith.index_cast %swap3A_262 : i32 to index
    %swap3A_264 = arith.constant 0 : index
    %swap3A_265 = tpu.vector_load %arg8[%swap3A_263, %swap3A_264] {strides = array<i32>} : memref<2x32xi32, #tpu.memory_space<vmem>>, vector<16xi32>,
    tpu.vector_store %arg8[%swap3A_263, %swap3A_264], %get3A_261 {strides = array<i32>} : memref<2x32xi32, #tpu.memory_space<vmem>>, vector<16xi32>,
    %get3A_266 = arith.constant 80 : index
    %get3A_267 = tpu.vector_load %arg13[%get3A_266] {strides = array<i32>} : memref<128xi32, #tpu.memory_space<vmem>>, vector<16xi32>,
    %swap3A_268 = arith.constant 0 : i32
    %swap3A_269 = arith.index_cast %swap3A_268 : i32 to index
    %swap3A_270 = arith.constant 16 : index
    %swap3A_271 = tpu.vector_load %arg8[%swap3A_269, %swap3A_270] {strides = array<i32>} : memref<2x32xi32, #tpu.memory_space<vmem>>, vector<16xi32>,
    tpu.vector_store %arg8[%swap3A_269, %swap3A_270], %get3A_267 {strides = array<i32>} : memref<2x32xi32, #tpu.memory_space<vmem>>, vector<16xi32>,
    %add3A_272 = arith.constant 64 : i32
    %add3A_273 = arith.addi %mul3A_2, %add3A_272 : i32
    %dma_wait3A_274 = arith.constant 0 : i32
    %dma_wait3A_275 = arith.constant 0 : i32
    %dma_wait3A_276 = arith.constant 0 : i32
    %dma_wait3A_277 = arith.constant 0 : i32
    %dma_wait3A_278 = tpu.memref_slice %arg9[%dma_wait3A_274, %dma_wait3A_276, %dma_wait3A_277] : memref<2x32x1024xf32, #tpu.memory_space<vmem>> -> memref<1x32x1024xf32, #tpu.memory_space<vmem>>
    %dma_wait3A_279 = tpu.memref_squeeze %dma_wait3A_278 : memref<1x32x1024xf32, #tpu.memory_space<vmem>> -> memref<32x1024xf32, #tpu.memory_space<vmem>>
    %dma_wait3A_280 = arith.constant 0 : i32
    %dma_wait3A_281 = tpu.memref_slice %arg2[%add3A_273, %dma_wait3A_280] : memref<4096x1024xf32, #tpu.memory_space<hbm>> -> memref<32x1024xf32, #tpu.memory_space<hbm>>
    %dma_wait3A_282 = tpu.memref_slice %arg14[%dma_wait3A_275] : memref<2x!tpu.dma_semaphore, #tpu.memory_space<semaphore_mem>> -> memref<1x!tpu.dma_semaphore, #tpu.memory_space<semaphore_mem>>
    %dma_wait3A_283 = tpu.memref_squeeze %dma_wait3A_282 : memref<1x!tpu.dma_semaphore, #tpu.memory_space<semaphore_mem>> -> memref<!tpu.dma_semaphore, #tpu.memory_space<semaphore_mem>>
    %dma_wait3A_284 = arith.constant 0 : i32
    %dma_wait3A_285 = arith.constant 0 : i32
    %dma_wait3A_286 = tpu.memref_slice %arg9[%dma_wait3A_274, %dma_wait3A_284, %dma_wait3A_285] : memref<2x32x1024xf32, #tpu.memory_space<vmem>> -> memref<1x32x1024xf32, #tpu.memory_space<vmem>>
    %dma_wait3A_287 = tpu.memref_squeeze %dma_wait3A_286 : memref<1x32x1024xf32, #tpu.memory_space<vmem>> -> memref<32x1024xf32, #tpu.memory_space<vmem>>
    %dma_wait3A_288 = arith.constant 0 : i32
    %dma_wait3A_289 = tpu.memref_slice %arg2[%add3A_273, %dma_wait3A_288] : memref<4096x1024xf32, #tpu.memory_space<hbm>> -> memref<32x1024xf32, #tpu.memory_space<hbm>>
    tpu.wait_dma2 semaphore(%dma_wait3A_283 : memref<!tpu.dma_semaphore, #tpu.memory_space<semaphore_mem>>) src(%dma_wait3A_289 : memref<32x1024xf32, #tpu.memory_space<hbm>>) dst(%dma_wait3A_287 : memref<32x1024xf32, #tpu.memory_space<vmem>>)
    %dma_start3A_290 = arith.constant 0 : i32
    %dma_start3A_291 = arith.constant 0 : i32
    %dma_start3A_292 = arith.constant 0 : i32
    %dma_start3A_293 = arith.constant 0 : i32
    %dma_start3A_294 = arith.constant 0 : i32
    %dma_start3A_295 = tpu.memref_slice %arg9[%dma_start3A_290, %dma_start3A_293, %dma_start3A_294] : memref<2x32x1024xf32, #tpu.memory_space<vmem>> -> memref<1x32x1024xf32, #tpu.memory_space<vmem>>
    %dma_start3A_296 = tpu.memref_squeeze %dma_start3A_295 : memref<1x32x1024xf32, #tpu.memory_space<vmem>> -> memref<32x1024xf32, #tpu.memory_space<vmem>>
    %dma_start3A_297 = arith.constant 0 : i32
    %dma_start3A_298 = tpu.memref_slice %arg8[%dma_start3A_291, %dma_start3A_297] : memref<2x32xi32, #tpu.memory_space<vmem>> -> memref<1x32xi32, #tpu.memory_space<vmem>>
    %dma_start3A_299 = tpu.memref_squeeze %dma_start3A_298 : memref<1x32xi32, #tpu.memory_space<vmem>> -> memref<32xi32, #tpu.memory_space<vmem>>
    %dma_start3A_300 = arith.constant 0 : i32
    %dma_start3A_301 = arith.constant 0 : i32
    %dma_start3A_302 = tpu.memref_slice %arg6[%dma_start3A_300, %dma_start3A_301] : memref<4096x1024xf32, #tpu.memory_space<hbm>> -> memref<4096x1024xf32, #tpu.memory_space<hbm>>
    %dma_start3A_303 = tpu.memref_slice %arg15[%dma_start3A_292] : memref<2x!tpu.dma_semaphore, #tpu.memory_space<semaphore_mem>> -> memref<1x!tpu.dma_semaphore, #tpu.memory_space<semaphore_mem>>
    %dma_start3A_304 = tpu.memref_squeeze %dma_start3A_303 : memref<1x!tpu.dma_semaphore, #tpu.memory_space<semaphore_mem>> -> memref<!tpu.dma_semaphore, #tpu.memory_space<semaphore_mem>>
    tpu.enqueue_indirect_dma source(%dma_start3A_296 : memref<32x1024xf32, #tpu.memory_space<vmem>>) target(%dma_start3A_302 : memref<4096x1024xf32, #tpu.memory_space<hbm>>) offsets(%dma_start3A_299 : memref<32xi32, #tpu.memory_space<vmem>>) semaphore(%dma_start3A_304 : memref<!tpu.dma_semaphore, #tpu.memory_space<semaphore_mem>>)
    %get3A_305 = arith.constant 96 : index
    %get3A_306 = tpu.vector_load %arg13[%get3A_305] {strides = array<i32>} : memref<128xi32, #tpu.memory_space<vmem>>, vector<16xi32>,
    %swap3A_307 = arith.constant 1 : i32
    %swap3A_308 = arith.index_cast %swap3A_307 : i32 to index
    %swap3A_309 = arith.constant 0 : index
    %swap3A_310 = tpu.vector_load %arg8[%swap3A_308, %swap3A_309] {strides = array<i32>} : memref<2x32xi32, #tpu.memory_space<vmem>>, vector<16xi32>,
    tpu.vector_store %arg8[%swap3A_308, %swap3A_309], %get3A_306 {strides = array<i32>} : memref<2x32xi32, #tpu.memory_space<vmem>>, vector<16xi32>,
    %get3A_311 = arith.constant 112 : index
    %get3A_312 = tpu.vector_load %arg13[%get3A_311] {strides = array<i32>} : memref<128xi32, #tpu.memory_space<vmem>>, vector<16xi32>,
    %swap3A_313 = arith.constant 1 : i32
    %swap3A_314 = arith.index_cast %swap3A_313 : i32 to index
    %swap3A_315 = arith.constant 16 : index
    %swap3A_316 = tpu.vector_load %arg8[%swap3A_314, %swap3A_315] {strides = array<i32>} : memref<2x32xi32, #tpu.memory_space<vmem>>, vector<16xi32>,
    tpu.vector_store %arg8[%swap3A_314, %swap3A_315], %get3A_312 {strides = array<i32>} : memref<2x32xi32, #tpu.memory_space<vmem>>, vector<16xi32>,
    %add3A_317 = arith.constant 96 : i32
    %add3A_318 = arith.addi %mul3A_2, %add3A_317 : i32
    %dma_wait3A_319 = arith.constant 1 : i32
    %dma_wait3A_320 = arith.constant 1 : i32
    %dma_wait3A_321 = arith.constant 0 : i32
    %dma_wait3A_322 = arith.constant 0 : i32
    %dma_wait3A_323 = tpu.memref_slice %arg9[%dma_wait3A_319, %dma_wait3A_321, %dma_wait3A_322] : memref<2x32x1024xf32, #tpu.memory_space<vmem>> -> memref<1x32x1024xf32, #tpu.memory_space<vmem>>
    %dma_wait3A_324 = tpu.memref_squeeze %dma_wait3A_323 : memref<1x32x1024xf32, #tpu.memory_space<vmem>> -> memref<32x1024xf32, #tpu.memory_space<vmem>>
    %dma_wait3A_325 = arith.constant 0 : i32
    %dma_wait3A_326 = tpu.memref_slice %arg2[%add3A_318, %dma_wait3A_325] : memref<4096x1024xf32, #tpu.memory_space<hbm>> -> memref<32x1024xf32, #tpu.memory_space<hbm>>
    %dma_wait3A_327 = tpu.memref_slice %arg14[%dma_wait3A_320] : memref<2x!tpu.dma_semaphore, #tpu.memory_space<semaphore_mem>> -> memref<1x!tpu.dma_semaphore, #tpu.memory_space<semaphore_mem>>
    %dma_wait3A_328 = tpu.memref_squeeze %dma_wait3A_327 : memref<1x!tpu.dma_semaphore, #tpu.memory_space<semaphore_mem>> -> memref<!tpu.dma_semaphore, #tpu.memory_space<semaphore_mem>>
    %dma_wait3A_329 = arith.constant 0 : i32
    %dma_wait3A_330 = arith.constant 0 : i32
    %dma_wait3A_331 = tpu.memref_slice %arg9[%dma_wait3A_319, %dma_wait3A_329, %dma_wait3A_330] : memref<2x32x1024xf32, #tpu.memory_space<vmem>> -> memref<1x32x1024xf32, #tpu.memory_space<vmem>>
    %dma_wait3A_332 = tpu.memref_squeeze %dma_wait3A_331 : memref<1x32x1024xf32, #tpu.memory_space<vmem>> -> memref<32x1024xf32, #tpu.memory_space<vmem>>
    %dma_wait3A_333 = arith.constant 0 : i32
    %dma_wait3A_334 = tpu.memref_slice %arg2[%add3A_318, %dma_wait3A_333] : memref<4096x1024xf32, #tpu.memory_space<hbm>> -> memref<32x1024xf32, #tpu.memory_space<hbm>>
    tpu.wait_dma2 semaphore(%dma_wait3A_328 : memref<!tpu.dma_semaphore, #tpu.memory_space<semaphore_mem>>) src(%dma_wait3A_334 : memref<32x1024xf32, #tpu.memory_space<hbm>>) dst(%dma_wait3A_332 : memref<32x1024xf32, #tpu.memory_space<vmem>>)
    %dma_start3A_335 = arith.constant 1 : i32
    %dma_start3A_336 = arith.constant 1 : i32
    %dma_start3A_337 = arith.constant 1 : i32
    %dma_start3A_338 = arith.constant 0 : i32
    %dma_start3A_339 = arith.constant 0 : i32
    %dma_start3A_340 = tpu.memref_slice %arg9[%dma_start3A_335, %dma_start3A_338, %dma_start3A_339] : memref<2x32x1024xf32, #tpu.memory_space<vmem>> -> memref<1x32x1024xf32, #tpu.memory_space<vmem>>
    %dma_start3A_341 = tpu.memref_squeeze %dma_start3A_340 : memref<1x32x1024xf32, #tpu.memory_space<vmem>> -> memref<32x1024xf32, #tpu.memory_space<vmem>>
    %dma_start3A_342 = arith.constant 0 : i32
    %dma_start3A_343 = tpu.memref_slice %arg8[%dma_start3A_336, %dma_start3A_342] : memref<2x32xi32, #tpu.memory_space<vmem>> -> memref<1x32xi32, #tpu.memory_space<vmem>>
    %dma_start3A_344 = tpu.memref_squeeze %dma_start3A_343 : memref<1x32xi32, #tpu.memory_space<vmem>> -> memref<32xi32, #tpu.memory_space<vmem>>
    %dma_start3A_345 = arith.constant 0 : i32
    %dma_start3A_346 = arith.constant 0 : i32
    %dma_start3A_347 = tpu.memref_slice %arg6[%dma_start3A_345, %dma_start3A_346] : memref<4096x1024xf32, #tpu.memory_space<hbm>> -> memref<4096x1024xf32, #tpu.memory_space<hbm>>
    %dma_start3A_348 = tpu.memref_slice %arg15[%dma_start3A_337] : memref<2x!tpu.dma_semaphore, #tpu.memory_space<semaphore_mem>> -> memref<1x!tpu.dma_semaphore, #tpu.memory_space<semaphore_mem>>
    %dma_start3A_349 = tpu.memref_squeeze %dma_start3A_348 : memref<1x!tpu.dma_semaphore, #tpu.memory_space<semaphore_mem>> -> memref<!tpu.dma_semaphore, #tpu.memory_space<semaphore_mem>>
    tpu.enqueue_indirect_dma source(%dma_start3A_341 : memref<32x1024xf32, #tpu.memory_space<vmem>>) target(%dma_start3A_347 : memref<4096x1024xf32, #tpu.memory_space<hbm>>) offsets(%dma_start3A_344 : memref<32xi32, #tpu.memory_space<vmem>>) semaphore(%dma_start3A_349 : memref<!tpu.dma_semaphore, #tpu.memory_space<semaphore_mem>>)
    %dma_wait3A_350 = arith.constant 0 : i32
    %dma_wait3A_351 = arith.constant 0 : i32
    %dma_wait3A_352 = arith.constant 0 : i32
    %dma_wait3A_353 = arith.constant 0 : i32
    %dma_wait3A_354 = arith.constant 0 : i32
    %dma_wait3A_355 = tpu.memref_slice %arg9[%dma_wait3A_350, %dma_wait3A_353, %dma_wait3A_354] : memref<2x32x1024xf32, #tpu.memory_space<vmem>> -> memref<1x32x1024xf32, #tpu.memory_space<vmem>>
    %dma_wait3A_356 = tpu.memref_squeeze %dma_wait3A_355 : memref<1x32x1024xf32, #tpu.memory_space<vmem>> -> memref<32x1024xf32, #tpu.memory_space<vmem>>
    %dma_wait3A_357 = arith.constant 0 : i32
    %dma_wait3A_358 = tpu.memref_slice %arg8[%dma_wait3A_351, %dma_wait3A_357] : memref<2x32xi32, #tpu.memory_space<vmem>> -> memref<1x32xi32, #tpu.memory_space<vmem>>
    %dma_wait3A_359 = tpu.memref_squeeze %dma_wait3A_358 : memref<1x32xi32, #tpu.memory_space<vmem>> -> memref<32xi32, #tpu.memory_space<vmem>>
    %dma_wait3A_360 = arith.constant 0 : i32
    %dma_wait3A_361 = arith.constant 0 : i32
    %dma_wait3A_362 = tpu.memref_slice %arg6[%dma_wait3A_360, %dma_wait3A_361] : memref<4096x1024xf32, #tpu.memory_space<hbm>> -> memref<4096x1024xf32, #tpu.memory_space<hbm>>
    %dma_wait3A_363 = tpu.memref_slice %arg15[%dma_wait3A_352] : memref<2x!tpu.dma_semaphore, #tpu.memory_space<semaphore_mem>> -> memref<1x!tpu.dma_semaphore, #tpu.memory_space<semaphore_mem>>
    %dma_wait3A_364 = tpu.memref_squeeze %dma_wait3A_363 : memref<1x!tpu.dma_semaphore, #tpu.memory_space<semaphore_mem>> -> memref<!tpu.dma_semaphore, #tpu.memory_space<semaphore_mem>>
    tpu.wait_indirect_dma semaphore(%dma_wait3A_364 : memref<!tpu.dma_semaphore, #tpu.memory_space<semaphore_mem>>) src(%dma_wait3A_356 : memref<32x1024xf32, #tpu.memory_space<vmem>>) dst(%dma_wait3A_362 : memref<4096x1024xf32, #tpu.memory_space<hbm>>)
    %dma_wait3A_365 = arith.constant 1 : i32
    %dma_wait3A_366 = arith.constant 1 : i32
    %dma_wait3A_367 = arith.constant 1 : i32
    %dma_wait3A_368 = arith.constant 0 : i32
    %dma_wait3A_369 = arith.constant 0 : i32
    %dma_wait3A_370 = tpu.memref_slice %arg9[%dma_wait3A_365, %dma_wait3A_368, %dma_wait3A_369] : memref<2x32x1024xf32, #tpu.memory_space<vmem>> -> memref<1x32x1024xf32, #tpu.memory_space<vmem>>
    %dma_wait3A_371 = tpu.memref_squeeze %dma_wait3A_370 : memref<1x32x1024xf32, #tpu.memory_space<vmem>> -> memref<32x1024xf32, #tpu.memory_space<vmem>>
    %dma_wait3A_372 = arith.constant 0 : i32
    %dma_wait3A_373 = tpu.memref_slice %arg8[%dma_wait3A_366, %dma_wait3A_372] : memref<2x32xi32, #tpu.memory_space<vmem>> -> memref<1x32xi32, #tpu.memory_space<vmem>>
    %dma_wait3A_374 = tpu.memref_squeeze %dma_wait3A_373 : memref<1x32xi32, #tpu.memory_space<vmem>> -> memref<32xi32, #tpu.memory_space<vmem>>
    %dma_wait3A_375 = arith.constant 0 : i32
    %dma_wait3A_376 = arith.constant 0 : i32
    %dma_wait3A_377 = tpu.memref_slice %arg6[%dma_wait3A_375, %dma_wait3A_376] : memref<4096x1024xf32, #tpu.memory_space<hbm>> -> memref<4096x1024xf32, #tpu.memory_space<hbm>>
    %dma_wait3A_378 = tpu.memref_slice %arg15[%dma_wait3A_367] : memref<2x!tpu.dma_semaphore, #tpu.memory_space<semaphore_mem>> -> memref<1x!tpu.dma_semaphore, #tpu.memory_space<semaphore_mem>>
    %dma_wait3A_379 = tpu.memref_squeeze %dma_wait3A_378 : memref<1x!tpu.dma_semaphore, #tpu.memory_space<semaphore_mem>> -> memref<!tpu.dma_semaphore, #tpu.memory_space<semaphore_mem>>
    tpu.wait_indirect_dma semaphore(%dma_wait3A_379 : memref<!tpu.dma_semaphore, #tpu.memory_space<semaphore_mem>>) src(%dma_wait3A_371 : memref<32x1024xf32, #tpu.memory_space<vmem>>) dst(%dma_wait3A_377 : memref<4096x1024xf32, #tpu.memory_space<hbm>>)
    return
  }
}

module attributes {stable_mosaic.version = 14 : i64} {
  func.func @_dec_body(%arg0: i32, %arg1: memref<1024x1024xf32, #tpu.memory_space<vmem>>, %arg2: memref<1024x128xf32, #tpu.memory_space<vmem>>, %arg3: memref<1x128xf32, #tpu.memory_space<vmem>>, %arg4: memref<1024x1xi32, #tpu.memory_space<vmem>>, %arg5: memref<1024x1xi32, #tpu.memory_space<vmem>>, %arg6: memref<1x128xi32, #tpu.memory_space<vmem>>, %arg7: memref<1x128xi32, #tpu.memory_space<vmem>>, %arg8: memref<1x128xf32, #tpu.memory_space<vmem>>) attributes {dimension_semantics = [#tpu.dimension_semantics<arbitrary>], iteration_bounds = array<i64: 4>, scalar_prefetch = 0 : i64, scratch_operands = 1 : i64, tpu.core_type = #tpu.core_type<tc>, window_params = [{transform_indices = @transform_0, window_bounds = array<i64: 1024, 1024>}, {pipeline_mode = #tpu.pipeline_mode<synchronous>, transform_indices = @transform_1, window_bounds = array<i64: 1024, 128>}, {pipeline_mode = #tpu.pipeline_mode<synchronous>, transform_indices = @transform_2, window_bounds = array<i64: 1, 128>}, {transform_indices = @transform_3, window_bounds = array<i64: 1024, 1>}, {transform_indices = @transform_4, window_bounds = array<i64: 1024, 1>}, {pipeline_mode = #tpu.pipeline_mode<synchronous>, transform_indices = @transform_5, window_bounds = array<i64: 1, 128>}, {pipeline_mode = #tpu.pipeline_mode<synchronous>, transform_indices = @transform_6, window_bounds = array<i64: 1, 128>}]} {
    %eq3A = arith.constant 0 : i32
    %eq3A_0 = arith.cmpi eq, %arg0, %eq3A : i32
    %convert_element_type3A = arith.extui %eq3A_0 : i1 to i32
    %cond3A = arith.constant 0 : i32
    %cond3A_1 = arith.cmpi ne, %convert_element_type3A, %cond3A : i32
    scf.if %cond3A_1 {
      %broadcast_in_dim3A_218 = arith.constant 0.000000e+00 : f32
      %broadcast_in_dim3A_219 = vector.broadcast %broadcast_in_dim3A_218 : f32 to vector<1x128xf32>
      %swap3A_220 = arith.constant 0 : index
      %swap3A_221 = arith.constant 0 : index
      %swap3A_222 = vector.load %arg8[%swap3A_220, %swap3A_221] : memref<1x128xf32, #tpu.memory_space<vmem>>, vector<1x128xf32>
      tpu.vector_store %arg8[%swap3A_220, %swap3A_221], %broadcast_in_dim3A_219 {strides = array<i32>} : memref<1x128xf32, #tpu.memory_space<vmem>>, vector<1x128xf32>,
    } else {
    }
    %get3A = arith.constant 0 : index
    %get3A_2 = arith.constant 0 : index
    %get3A_3 = vector.load %arg1[%get3A, %get3A_2] : memref<1024x1024xf32, #tpu.memory_space<vmem>>, vector<1024x1024xf32>
    %get3A_4 = arith.constant 0 : index
    %get3A_5 = arith.constant 0 : index
    %get3A_6 = vector.load %arg2[%get3A_4, %get3A_5] : memref<1024x128xf32, #tpu.memory_space<vmem>>, vector<1024x128xf32>
    %dot_general3A = arith.constant dense<0.000000e+00> : vector<1024x128xf32>
    %dot_general3A_7 = tpu.matmul %get3A_3, %get3A_6, %dot_general3A {dimension_numbers = #tpu.dot_dimension_numbers<[1], [0], [0], [1], [0, 0, 1, 1], [], []>, transpose_lhs_hint = false} : vector<1024x1024xf32>, vector<1024x128xf32>, vector<1024x128xf32> -> vector<1024x128xf32>
    %get3A_8 = arith.constant 0 : index
    %get3A_9 = arith.constant 0 : index
    %get3A_10 = vector.load %arg3[%get3A_8, %get3A_9] : memref<1x128xf32, #tpu.memory_space<vmem>>, vector<1x128xf32>
    %add3A = vector.broadcast %get3A_10 : vector<1x128xf32> to vector<1024x128xf32>
    %add3A_11 = arith.addf %dot_general3A_7, %add3A : vector<1024x128xf32>
    %gt3A = arith.constant 0.000000e+00 : f32
    %gt3A_12 = vector.broadcast %gt3A : f32 to vector<1024x128xf32>
    %gt3A_13 = arith.cmpf ogt, %add3A_11, %gt3A_12 : vector<1024x128xf32>
    %jit3A = arith.constant 1.000000e+00 : f32
    %jit3A_14 = arith.constant 0.000000e+00 : f32
    %broadcast_in_dim3A = vector.broadcast %jit3A : f32 to vector<1024x128xf32>
    %broadcast_in_dim3A_15 = vector.broadcast %jit3A_14 : f32 to vector<1024x128xf32>
    %select_n3A = arith.select %gt3A_13, %broadcast_in_dim3A, %broadcast_in_dim3A_15 : vector<1024x128xi1>, vector<1024x128xf32>
    %iota3A = tpu.iota {dimensions = array<i32: 1>} : vector<1024x128xi32>
    %eq3A_16 = arith.constant 0 : i32
    %eq3A_17 = vector.broadcast %eq3A_16 : i32 to vector<1024x128xi32>
    %eq3A_18 = arith.cmpi eq, %iota3A, %eq3A_17 : vector<1024x128xi32>
    %jit3A_19 = arith.constant 0.000000e+00 : f32
    %broadcast_in_dim3A_20 = vector.broadcast %jit3A_19 : f32 to vector<1024x128xf32>
    %select_n3A_21 = arith.select %eq3A_18, %select_n3A, %broadcast_in_dim3A_20 : vector<1024x128xi1>, vector<1024x128xf32>
    %reduce_sum3A = arith.constant dense<0.000000e+00> : vector<1024xf32>
    %reduce_sum3A_22 = vector.multi_reduction <add>, %select_n3A_21, %reduce_sum3A [1] : vector<1024x128xf32> to vector<1024xf32>
    %broadcast_in_dim3A_23 = vector.shape_cast %reduce_sum3A_22 : vector<1024xf32> to vector<1024x1xf32>
    %eq3A_24 = arith.constant 1 : i32
    %eq3A_25 = vector.broadcast %eq3A_24 : i32 to vector<1024x128xi32>
    %eq3A_26 = arith.cmpi eq, %iota3A, %eq3A_25 : vector<1024x128xi32>
    %jit3A_27 = arith.constant 0.000000e+00 : f32
    %broadcast_in_dim3A_28 = vector.broadcast %jit3A_27 : f32 to vector<1024x128xf32>
    %select_n3A_29 = arith.select %eq3A_26, %select_n3A, %broadcast_in_dim3A_28 : vector<1024x128xi1>, vector<1024x128xf32>
    %reduce_sum3A_30 = arith.constant dense<0.000000e+00> : vector<1024xf32>
    %reduce_sum3A_31 = vector.multi_reduction <add>, %select_n3A_29, %reduce_sum3A_30 [1] : vector<1024x128xf32> to vector<1024xf32>
    %broadcast_in_dim3A_32 = vector.shape_cast %reduce_sum3A_31 : vector<1024xf32> to vector<1024x1xf32>
    %eq3A_33 = arith.constant 2 : i32
    %eq3A_34 = vector.broadcast %eq3A_33 : i32 to vector<1024x128xi32>
    %eq3A_35 = arith.cmpi eq, %iota3A, %eq3A_34 : vector<1024x128xi32>
    %jit3A_36 = arith.constant 0.000000e+00 : f32
    %broadcast_in_dim3A_37 = vector.broadcast %jit3A_36 : f32 to vector<1024x128xf32>
    %select_n3A_38 = arith.select %eq3A_35, %select_n3A, %broadcast_in_dim3A_37 : vector<1024x128xi1>, vector<1024x128xf32>
    %reduce_sum3A_39 = arith.constant dense<0.000000e+00> : vector<1024xf32>
    %reduce_sum3A_40 = vector.multi_reduction <add>, %select_n3A_38, %reduce_sum3A_39 [1] : vector<1024x128xf32> to vector<1024xf32>
    %broadcast_in_dim3A_41 = vector.shape_cast %reduce_sum3A_40 : vector<1024xf32> to vector<1024x1xf32>
    %eq3A_42 = arith.constant 3 : i32
    %eq3A_43 = vector.broadcast %eq3A_42 : i32 to vector<1024x128xi32>
    %eq3A_44 = arith.cmpi eq, %iota3A, %eq3A_43 : vector<1024x128xi32>
    %jit3A_45 = arith.constant 0.000000e+00 : f32
    %broadcast_in_dim3A_46 = vector.broadcast %jit3A_45 : f32 to vector<1024x128xf32>
    %select_n3A_47 = arith.select %eq3A_44, %select_n3A, %broadcast_in_dim3A_46 : vector<1024x128xi1>, vector<1024x128xf32>
    %reduce_sum3A_48 = arith.constant dense<0.000000e+00> : vector<1024xf32>
    %reduce_sum3A_49 = vector.multi_reduction <add>, %select_n3A_47, %reduce_sum3A_48 [1] : vector<1024x128xf32> to vector<1024xf32>
    %broadcast_in_dim3A_50 = vector.shape_cast %reduce_sum3A_49 : vector<1024xf32> to vector<1024x1xf32>
    %eq3A_51 = arith.constant 4 : i32
    %eq3A_52 = vector.broadcast %eq3A_51 : i32 to vector<1024x128xi32>
    %eq3A_53 = arith.cmpi eq, %iota3A, %eq3A_52 : vector<1024x128xi32>
    %jit3A_54 = arith.constant 0.000000e+00 : f32
    %broadcast_in_dim3A_55 = vector.broadcast %jit3A_54 : f32 to vector<1024x128xf32>
    %select_n3A_56 = arith.select %eq3A_53, %select_n3A, %broadcast_in_dim3A_55 : vector<1024x128xi1>, vector<1024x128xf32>
    %reduce_sum3A_57 = arith.constant dense<0.000000e+00> : vector<1024xf32>
    %reduce_sum3A_58 = vector.multi_reduction <add>, %select_n3A_56, %reduce_sum3A_57 [1] : vector<1024x128xf32> to vector<1024xf32>
    %broadcast_in_dim3A_59 = vector.shape_cast %reduce_sum3A_58 : vector<1024xf32> to vector<1024x1xf32>
    %eq3A_60 = arith.constant 5 : i32
    %eq3A_61 = vector.broadcast %eq3A_60 : i32 to vector<1024x128xi32>
    %eq3A_62 = arith.cmpi eq, %iota3A, %eq3A_61 : vector<1024x128xi32>
    %jit3A_63 = arith.constant 0.000000e+00 : f32
    %broadcast_in_dim3A_64 = vector.broadcast %jit3A_63 : f32 to vector<1024x128xf32>
    %select_n3A_65 = arith.select %eq3A_62, %select_n3A, %broadcast_in_dim3A_64 : vector<1024x128xi1>, vector<1024x128xf32>
    %reduce_sum3A_66 = arith.constant dense<0.000000e+00> : vector<1024xf32>
    %reduce_sum3A_67 = vector.multi_reduction <add>, %select_n3A_65, %reduce_sum3A_66 [1] : vector<1024x128xf32> to vector<1024xf32>
    %broadcast_in_dim3A_68 = vector.shape_cast %reduce_sum3A_67 : vector<1024xf32> to vector<1024x1xf32>
    %eq3A_69 = arith.constant 6 : i32
    %eq3A_70 = vector.broadcast %eq3A_69 : i32 to vector<1024x128xi32>
    %eq3A_71 = arith.cmpi eq, %iota3A, %eq3A_70 : vector<1024x128xi32>
    %jit3A_72 = arith.constant 0.000000e+00 : f32
    %broadcast_in_dim3A_73 = vector.broadcast %jit3A_72 : f32 to vector<1024x128xf32>
    %select_n3A_74 = arith.select %eq3A_71, %select_n3A, %broadcast_in_dim3A_73 : vector<1024x128xi1>, vector<1024x128xf32>
    %reduce_sum3A_75 = arith.constant dense<0.000000e+00> : vector<1024xf32>
    %reduce_sum3A_76 = vector.multi_reduction <add>, %select_n3A_74, %reduce_sum3A_75 [1] : vector<1024x128xf32> to vector<1024xf32>
    %broadcast_in_dim3A_77 = vector.shape_cast %reduce_sum3A_76 : vector<1024xf32> to vector<1024x1xf32>
    %mul3A = arith.mulf %broadcast_in_dim3A_23, %broadcast_in_dim3A_41 : vector<1024x1xf32>
    %sub3A = arith.constant 1.000000e+00 : f32
    %sub3A_78 = vector.broadcast %sub3A : f32 to vector<1024x1xf32>
    %sub3A_79 = arith.subf %sub3A_78, %broadcast_in_dim3A_23 : vector<1024x1xf32>
    %mul3A_80 = arith.mulf %sub3A_79, %broadcast_in_dim3A_32 : vector<1024x1xf32>
    %add3A_81 = arith.addf %mul3A, %mul3A_80 : vector<1024x1xf32>
    %mul3A_82 = arith.mulf %add3A_81, %broadcast_in_dim3A_77 : vector<1024x1xf32>
    %sub3A_83 = arith.constant 1.000000e+00 : f32
    %sub3A_84 = vector.broadcast %sub3A_83 : f32 to vector<1024x1xf32>
    %sub3A_85 = arith.subf %sub3A_84, %add3A_81 : vector<1024x1xf32>
    %mul3A_86 = arith.mulf %sub3A_85, %broadcast_in_dim3A_68 : vector<1024x1xf32>
    %add3A_87 = arith.addf %mul3A_82, %mul3A_86 : vector<1024x1xf32>
    %mul3A_88 = arith.mulf %broadcast_in_dim3A_23, %add3A_87 : vector<1024x1xf32>
    %sub3A_89 = arith.constant 1.000000e+00 : f32
    %sub3A_90 = vector.broadcast %sub3A_89 : f32 to vector<1024x1xf32>
    %sub3A_91 = arith.subf %sub3A_90, %broadcast_in_dim3A_23 : vector<1024x1xf32>
    %mul3A_92 = arith.mulf %add3A_81, %broadcast_in_dim3A_59 : vector<1024x1xf32>
    %sub3A_93 = arith.constant 1.000000e+00 : f32
    %sub3A_94 = vector.broadcast %sub3A_93 : f32 to vector<1024x1xf32>
    %sub3A_95 = arith.subf %sub3A_94, %add3A_81 : vector<1024x1xf32>
    %mul3A_96 = arith.mulf %sub3A_95, %broadcast_in_dim3A_50 : vector<1024x1xf32>
    %add3A_97 = arith.addf %mul3A_92, %mul3A_96 : vector<1024x1xf32>
    %mul3A_98 = arith.mulf %sub3A_91, %add3A_97 : vector<1024x1xf32>
    %add3A_99 = arith.addf %mul3A_88, %mul3A_98 : vector<1024x1xf32>
    %mul3A_100 = arith.constant 4.000000e+00 : f32
    %mul3A_101 = vector.broadcast %mul3A_100 : f32 to vector<1024x1xf32>
    %mul3A_102 = arith.mulf %mul3A_101, %broadcast_in_dim3A_23 : vector<1024x1xf32>
    %mul3A_103 = arith.constant 2.000000e+00 : f32
    %mul3A_104 = vector.broadcast %mul3A_103 : f32 to vector<1024x1xf32>
    %mul3A_105 = arith.mulf %mul3A_104, %add3A_81 : vector<1024x1xf32>
    %add3A_106 = arith.addf %mul3A_102, %mul3A_105 : vector<1024x1xf32>
    %add3A_107 = arith.addf %add3A_106, %add3A_99 : vector<1024x1xf32>
    %convert_element_type3A_108 = arith.fptosi %add3A_107 : vector<1024x1xf32> to vector<1024x1xi32>
    %swap3A = arith.constant 0 : index
    %swap3A_109 = arith.constant 0 : index
    %swap3A_110 = vector.load %arg4[%swap3A, %swap3A_109] : memref<1024x1xi32, #tpu.memory_space<vmem>>, vector<1024x1xi32>
    tpu.vector_store %arg4[%swap3A, %swap3A_109], %convert_element_type3A_108 {strides = array<i32>} : memref<1024x1xi32, #tpu.memory_space<vmem>>, vector<1024x1xi32>,
    %shift_right_arithmetic3A = arith.constant 2 : i32
    %shift_right_arithmetic3A_111 = vector.broadcast %shift_right_arithmetic3A : i32 to vector<1024x128xi32>
    %shift_right_arithmetic3A_112 = arith.shrsi %iota3A, %shift_right_arithmetic3A_111 : vector<1024x128xi32>
    %and3A = arith.constant 1 : i32
    %and3A_113 = vector.broadcast %and3A : i32 to vector<1024x128xi32>
    %and3A_114 = arith.andi %shift_right_arithmetic3A_112, %and3A_113 : vector<1024x128xi32>
    %convert_element_type3A_115 = arith.sitofp %and3A_114 : vector<1024x128xi32> to vector<1024x128xf32>
    %shift_right_arithmetic3A_116 = arith.constant 1 : i32
    %shift_right_arithmetic3A_117 = vector.broadcast %shift_right_arithmetic3A_116 : i32 to vector<1024x128xi32>
    %shift_right_arithmetic3A_118 = arith.shrsi %iota3A, %shift_right_arithmetic3A_117 : vector<1024x128xi32>
    %and3A_119 = arith.constant 1 : i32
    %and3A_120 = vector.broadcast %and3A_119 : i32 to vector<1024x128xi32>
    %and3A_121 = arith.andi %shift_right_arithmetic3A_118, %and3A_120 : vector<1024x128xi32>
    %convert_element_type3A_122 = arith.sitofp %and3A_121 : vector<1024x128xi32> to vector<1024x128xf32>
    %and3A_123 = arith.constant 1 : i32
    %and3A_124 = vector.broadcast %and3A_123 : i32 to vector<1024x128xi32>
    %and3A_125 = arith.andi %iota3A, %and3A_124 : vector<1024x128xi32>
    %convert_element_type3A_126 = arith.sitofp %and3A_125 : vector<1024x128xi32> to vector<1024x128xf32>
    %lt3A = arith.constant 8 : i32
    %lt3A_127 = vector.broadcast %lt3A : i32 to vector<1024x128xi32>
    %lt3A_128 = arith.cmpi slt, %iota3A, %lt3A_127 : vector<1024x128xi32>
    %convert_element_type3A_129 = arith.extui %lt3A_128 : vector<1024x128xi1> to vector<1024x128xi32>
    %convert_element_type3A_130 = arith.sitofp %convert_element_type3A_129 : vector<1024x128xi32> to vector<1024x128xf32>
    %mul3A_131 = vector.broadcast %broadcast_in_dim3A_23 : vector<1024x1xf32> to vector<1024x128xf32>
    %mul3A_132 = arith.mulf %mul3A_131, %convert_element_type3A_115 : vector<1024x128xf32>
    %sub3A_133 = arith.constant 1.000000e+00 : f32
    %sub3A_134 = vector.broadcast %sub3A_133 : f32 to vector<1024x1xf32>
    %sub3A_135 = arith.subf %sub3A_134, %broadcast_in_dim3A_23 : vector<1024x1xf32>
    %sub3A_136 = arith.constant 1.000000e+00 : f32
    %sub3A_137 = vector.broadcast %sub3A_136 : f32 to vector<1024x128xf32>
    %sub3A_138 = arith.subf %sub3A_137, %convert_element_type3A_115 : vector<1024x128xf32>
    %mul3A_139 = vector.broadcast %sub3A_135 : vector<1024x1xf32> to vector<1024x128xf32>
    %mul3A_140 = arith.mulf %mul3A_139, %sub3A_138 : vector<1024x128xf32>
    %add3A_141 = arith.addf %mul3A_132, %mul3A_140 : vector<1024x128xf32>
    %mul3A_142 = arith.mulf %convert_element_type3A_130, %add3A_141 : vector<1024x128xf32>
    %mul3A_143 = vector.broadcast %add3A_81 : vector<1024x1xf32> to vector<1024x128xf32>
    %mul3A_144 = arith.mulf %mul3A_143, %convert_element_type3A_122 : vector<1024x128xf32>
    %sub3A_145 = arith.constant 1.000000e+00 : f32
    %sub3A_146 = vector.broadcast %sub3A_145 : f32 to vector<1024x1xf32>
    %sub3A_147 = arith.subf %sub3A_146, %add3A_81 : vector<1024x1xf32>
    %sub3A_148 = arith.constant 1.000000e+00 : f32
    %sub3A_149 = vector.broadcast %sub3A_148 : f32 to vector<1024x128xf32>
    %sub3A_150 = arith.subf %sub3A_149, %convert_element_type3A_122 : vector<1024x128xf32>
    %mul3A_151 = vector.broadcast %sub3A_147 : vector<1024x1xf32> to vector<1024x128xf32>
    %mul3A_152 = arith.mulf %mul3A_151, %sub3A_150 : vector<1024x128xf32>
    %add3A_153 = arith.addf %mul3A_144, %mul3A_152 : vector<1024x128xf32>
    %mul3A_154 = arith.mulf %mul3A_142, %add3A_153 : vector<1024x128xf32>
    %mul3A_155 = vector.broadcast %add3A_99 : vector<1024x1xf32> to vector<1024x128xf32>
    %mul3A_156 = arith.mulf %mul3A_155, %convert_element_type3A_126 : vector<1024x128xf32>
    %sub3A_157 = arith.constant 1.000000e+00 : f32
    %sub3A_158 = vector.broadcast %sub3A_157 : f32 to vector<1024x1xf32>
    %sub3A_159 = arith.subf %sub3A_158, %add3A_99 : vector<1024x1xf32>
    %sub3A_160 = arith.constant 1.000000e+00 : f32
    %sub3A_161 = vector.broadcast %sub3A_160 : f32 to vector<1024x128xf32>
    %sub3A_162 = arith.subf %sub3A_161, %convert_element_type3A_126 : vector<1024x128xf32>
    %mul3A_163 = vector.broadcast %sub3A_159 : vector<1024x1xf32> to vector<1024x128xf32>
    %mul3A_164 = arith.mulf %mul3A_163, %sub3A_162 : vector<1024x128xf32>
    %add3A_165 = arith.addf %mul3A_156, %mul3A_164 : vector<1024x128xf32>
    %mul3A_166 = arith.mulf %mul3A_154, %add3A_165 : vector<1024x128xf32>
    %iota3A_167 = tpu.iota {dimensions = array<i32: 0>} : vector<1024x1024xi32>
    %iota3A_168 = tpu.iota {dimensions = array<i32: 1>} : vector<1024x1024xi32>
    %lt3A_169 = arith.cmpi slt, %iota3A_168, %iota3A_167 : vector<1024x1024xi32>
    %convert_element_type3A_170 = arith.extui %lt3A_169 : vector<1024x1024xi1> to vector<1024x1024xi32>
    %convert_element_type3A_171 = arith.sitofp %convert_element_type3A_170 : vector<1024x1024xi32> to vector<1024x1024xf32>
    %dot_general3A_172 = arith.constant dense<0.000000e+00> : vector<1024x128xf32>
    %dot_general3A_173 = tpu.matmul %convert_element_type3A_171, %mul3A_166, %dot_general3A_172 {dimension_numbers = #tpu.dot_dimension_numbers<[1], [0], [0], [1], [0, 0, 1, 1], [], []>, transpose_lhs_hint = false} : vector<1024x1024xf32>, vector<1024x128xf32>, vector<1024x128xf32> -> vector<1024x128xf32>
    %get3A_174 = arith.constant 0 : index
    %get3A_175 = arith.constant 0 : index
    %get3A_176 = vector.load %arg8[%get3A_174, %get3A_175] : memref<1x128xf32, #tpu.memory_space<vmem>>, vector<1x128xf32>
    %add3A_177 = vector.broadcast %get3A_176 : vector<1x128xf32> to vector<1024x128xf32>
    %add3A_178 = arith.addf %dot_general3A_173, %add3A_177 : vector<1024x128xf32>
    %mul3A_179 = arith.mulf %add3A_178, %mul3A_166 : vector<1024x128xf32>
    %reduce_sum3A_180 = arith.constant dense<0.000000e+00> : vector<1024xf32>
    %reduce_sum3A_181 = vector.multi_reduction <add>, %mul3A_179, %reduce_sum3A_180 [1] : vector<1024x128xf32> to vector<1024xf32>
    %broadcast_in_dim3A_182 = vector.shape_cast %reduce_sum3A_181 : vector<1024xf32> to vector<1024x1xf32>
    %convert_element_type3A_183 = arith.fptosi %broadcast_in_dim3A_182 : vector<1024x1xf32> to vector<1024x1xi32>
    %swap3A_184 = arith.constant 0 : index
    %swap3A_185 = arith.constant 0 : index
    %swap3A_186 = vector.load %arg5[%swap3A_184, %swap3A_185] : memref<1024x1xi32, #tpu.memory_space<vmem>>, vector<1024x1xi32>
    tpu.vector_store %arg5[%swap3A_184, %swap3A_185], %convert_element_type3A_183 {strides = array<i32>} : memref<1024x1xi32, #tpu.memory_space<vmem>>, vector<1024x1xi32>,
    %get3A_187 = arith.constant 0 : index
    %get3A_188 = arith.constant 0 : index
    %get3A_189 = vector.load %arg8[%get3A_187, %get3A_188] : memref<1x128xf32, #tpu.memory_space<vmem>>, vector<1x128xf32>
    %reduce_sum3A_190 = arith.constant dense<0.000000e+00> : vector<128xf32>
    %reduce_sum3A_191 = vector.multi_reduction <add>, %mul3A_166, %reduce_sum3A_190 [0] : vector<1024x128xf32> to vector<128xf32>
    %broadcast_in_dim3A_192 = vector.shape_cast %reduce_sum3A_191 : vector<128xf32> to vector<1x128xf32>
    %add3A_193 = arith.addf %get3A_189, %broadcast_in_dim3A_192 : vector<1x128xf32>
    %swap3A_194 = arith.constant 0 : index
    %swap3A_195 = arith.constant 0 : index
    %swap3A_196 = vector.load %arg8[%swap3A_194, %swap3A_195] : memref<1x128xf32, #tpu.memory_space<vmem>>, vector<1x128xf32>
    tpu.vector_store %arg8[%swap3A_194, %swap3A_195], %add3A_193 {strides = array<i32>} : memref<1x128xf32, #tpu.memory_space<vmem>>, vector<1x128xf32>,
    %get3A_197 = arith.constant 0 : index
    %get3A_198 = arith.constant 0 : index
    %get3A_199 = vector.load %arg8[%get3A_197, %get3A_198] : memref<1x128xf32, #tpu.memory_space<vmem>>, vector<1x128xf32>
    %convert_element_type3A_200 = arith.fptosi %get3A_199 : vector<1x128xf32> to vector<1x128xi32>
    %swap3A_201 = arith.constant 0 : index
    %swap3A_202 = arith.constant 0 : index
    %swap3A_203 = vector.load %arg6[%swap3A_201, %swap3A_202] : memref<1x128xi32, #tpu.memory_space<vmem>>, vector<1x128xi32>
    tpu.vector_store %arg6[%swap3A_201, %swap3A_202], %convert_element_type3A_200 {strides = array<i32>} : memref<1x128xi32, #tpu.memory_space<vmem>>, vector<1x128xi32>,
    %iota3A_204 = tpu.iota {dimensions = array<i32: 0>} : vector<128x128xi32>
    %iota3A_205 = tpu.iota {dimensions = array<i32: 1>} : vector<128x128xi32>
    %lt3A_206 = arith.cmpi slt, %iota3A_204, %iota3A_205 : vector<128x128xi32>
    %convert_element_type3A_207 = arith.extui %lt3A_206 : vector<128x128xi1> to vector<128x128xi32>
    %convert_element_type3A_208 = arith.sitofp %convert_element_type3A_207 : vector<128x128xi32> to vector<128x128xf32>
    %get3A_209 = arith.constant 0 : index
    %get3A_210 = arith.constant 0 : index
    %get3A_211 = vector.load %arg8[%get3A_209, %get3A_210] : memref<1x128xf32, #tpu.memory_space<vmem>>, vector<1x128xf32>
    %dot_general3A_212 = arith.constant dense<0.000000e+00> : vector<1x128xf32>
    %dot_general3A_213 = tpu.matmul %get3A_211, %convert_element_type3A_208, %dot_general3A_212 {dimension_numbers = #tpu.dot_dimension_numbers<[1], [0], [0], [1], [0, 0, 1, 1], [], []>, precision = #tpu.contract_precision<fp32>, transpose_lhs_hint = false} : vector<1x128xf32>, vector<128x128xf32>, vector<1x128xf32> -> vector<1x128xf32>
    %convert_element_type3A_214 = arith.fptosi %dot_general3A_213 : vector<1x128xf32> to vector<1x128xi32>
    %swap3A_215 = arith.constant 0 : index
    %swap3A_216 = arith.constant 0 : index
    %swap3A_217 = vector.load %arg7[%swap3A_215, %swap3A_216] : memref<1x128xi32, #tpu.memory_space<vmem>>, vector<1x128xi32>
    tpu.vector_store %arg7[%swap3A_215, %swap3A_216], %convert_element_type3A_214 {strides = array<i32>} : memref<1x128xi32, #tpu.memory_space<vmem>>, vector<1x128xi32>,
    return
  }
  func.func @transform_0(%arg0: i32) -> (i32, i32) {
    %c0_i32 = arith.constant 0 : i32
    %c0_i32_0 = arith.constant 0 : i32
    return %arg0, %c0_i32 : i32, i32
  }
  func.func @transform_1(%arg0: i32) -> (i32, i32) {
    %c0_i32 = arith.constant 0 : i32
    %c0_i32_0 = arith.constant 0 : i32
    %c0_i32_1 = arith.constant 0 : i32
    return %c0_i32, %c0_i32_0 : i32, i32
  }
  func.func @transform_2(%arg0: i32) -> (i32, i32) {
    %c0_i32 = arith.constant 0 : i32
    %c0_i32_0 = arith.constant 0 : i32
    %c0_i32_1 = arith.constant 0 : i32
    return %c0_i32, %c0_i32_0 : i32, i32
  }
  func.func @transform_3(%arg0: i32) -> (i32, i32) {
    %c0_i32 = arith.constant 0 : i32
    %c0_i32_0 = arith.constant 0 : i32
    return %arg0, %c0_i32 : i32, i32
  }
  func.func @transform_4(%arg0: i32) -> (i32, i32) {
    %c0_i32 = arith.constant 0 : i32
    %c0_i32_0 = arith.constant 0 : i32
    return %arg0, %c0_i32 : i32, i32
  }
  func.func @transform_5(%arg0: i32) -> (i32, i32) {
    %c0_i32 = arith.constant 0 : i32
    %c0_i32_0 = arith.constant 0 : i32
    %c0_i32_1 = arith.constant 0 : i32
    return %c0_i32, %c0_i32_0 : i32, i32
  }
  func.func @transform_6(%arg0: i32) -> (i32, i32) {
    %c0_i32 = arith.constant 0 : i32
    %c0_i32_0 = arith.constant 0 : i32
    %c0_i32_1 = arith.constant 0 : i32
    return %c0_i32, %c0_i32_0 : i32, i32
  }
}

module attributes {stable_mosaic.version = 14 : i64} {
  func.func @_gm_body(%arg0: i32, %arg1: memref<4x11xi32, #tpu.memory_space<smem>>, %arg2: memref<1024x1024xf32, #tpu.memory_space<vmem>>, %arg3: memref<1x1024x1024xf32, #tpu.memory_space<vmem>>, %arg4: memref<1x1x1024xf32, #tpu.memory_space<vmem>>, %arg5: memref<1024x1024xf32, #tpu.memory_space<vmem>>) attributes {dimension_semantics = [#tpu.dimension_semantics<arbitrary>], iteration_bounds = array<i64: 11>, scalar_prefetch = 1 : i64, scratch_operands = 0 : i64, tpu.core_type = #tpu.core_type<tc>, window_params = [{transform_indices = @transform_0, window_bounds = array<i64: 1024, 1024>}, {transform_indices = @transform_1, window_bounds = array<i64: 1, 1024, 1024>}, {transform_indices = @transform_2, window_bounds = array<i64: 1, 1, 1024>}, {transform_indices = @transform_3, window_bounds = array<i64: 1024, 1024>}]} {
    %get3A = arith.constant 2 : index
    %get3A_0 = arith.index_cast %arg0 : i32 to index
    %get3A_1 = memref.load %arg1[%get3A, %get3A_0] : memref<4x11xi32, #tpu.memory_space<smem>>
    %get3A_2 = arith.constant 3 : index
    %get3A_3 = arith.index_cast %arg0 : i32 to index
    %get3A_4 = memref.load %arg1[%get3A_2, %get3A_3] : memref<4x11xi32, #tpu.memory_space<smem>>
    %get3A_5 = arith.constant 0 : index
    %get3A_6 = arith.index_cast %arg0 : i32 to index
    %get3A_7 = memref.load %arg1[%get3A_5, %get3A_6] : memref<4x11xi32, #tpu.memory_space<smem>>
    %sub3A = arith.constant 1 : i32
    %sub3A_8 = arith.subi %arg0, %sub3A : i32
    %max3A = arith.constant 0 : i32
    %max3A_9 = arith.maxsi %sub3A_8, %max3A : i32
    %get3A_10 = arith.constant 0 : index
    %get3A_11 = arith.index_cast %max3A_9 : i32 to index
    %get3A_12 = memref.load %arg1[%get3A_10, %get3A_11] : memref<4x11xi32, #tpu.memory_space<smem>>
    %eq3A = arith.constant 0 : i32
    %eq3A_13 = arith.cmpi eq, %arg0, %eq3A : i32
    %ne3A = arith.cmpi ne, %get3A_7, %get3A_12 : i32
    %or3A = arith.ori %eq3A_13, %ne3A : i1
    %get3A_14 = arith.constant 0 : index
    %get3A_15 = arith.constant 0 : index
    %get3A_16 = vector.load %arg2[%get3A_14, %get3A_15] : memref<1024x1024xf32, #tpu.memory_space<vmem>>, vector<1024x1024xf32>
    %get3A_17 = arith.constant 0 : index
    %get3A_18 = arith.constant 0 : index
    %get3A_19 = arith.constant 0 : index
    %get3A_20 = vector.load %arg3[%get3A_17, %get3A_18, %get3A_19] : memref<1x1024x1024xf32, #tpu.memory_space<vmem>>, vector<1x1024x1024xf32>
    %get3A_21 = vector.shape_cast %get3A_20 : vector<1x1024x1024xf32> to vector<1024x1024xf32>
    %dot_general3A = arith.constant dense<0.000000e+00> : vector<1024x1024xf32>
    %dot_general3A_22 = tpu.matmul %get3A_16, %get3A_21, %dot_general3A {dimension_numbers = #tpu.dot_dimension_numbers<[1], [0], [0], [1], [0, 0, 1, 1], [], []>, transpose_lhs_hint = false} : vector<1024x1024xf32>, vector<1024x1024xf32>, vector<1024x1024xf32> -> vector<1024x1024xf32>
    %get3A_23 = arith.constant 0 : index
    %get3A_24 = arith.constant 0 : index
    %get3A_25 = arith.constant 0 : index
    %get3A_26 = vector.load %arg4[%get3A_23, %get3A_24, %get3A_25] : memref<1x1x1024xf32, #tpu.memory_space<vmem>>, vector<1x1x1024xf32>
    %get3A_27 = vector.shape_cast %get3A_26 : vector<1x1x1024xf32> to vector<1x1024xf32>
    %add3A = vector.broadcast %get3A_27 : vector<1x1024xf32> to vector<1024x1024xf32>
    %add3A_28 = arith.addf %dot_general3A_22, %add3A : vector<1024x1024xf32>
    %iota3A = tpu.iota {dimensions = array<i32: 0>} : vector<1024x1xi32>
    %ge3A = vector.broadcast %get3A_1 : i32 to vector<1024x1xi32>
    %ge3A_29 = arith.cmpi sge, %iota3A, %ge3A : vector<1024x1xi32>
    %lt3A = vector.broadcast %get3A_4 : i32 to vector<1024x1xi32>
    %lt3A_30 = arith.cmpi slt, %iota3A, %lt3A : vector<1024x1xi32>
    %and3A = arith.andi %ge3A_29, %lt3A_30 : vector<1024x1xi1>
    %get3A_31 = arith.constant 0 : index
    %get3A_32 = arith.constant 0 : index
    %get3A_33 = vector.load %arg5[%get3A_31, %get3A_32] : memref<1024x1024xf32, #tpu.memory_space<vmem>>, vector<1024x1024xf32>
    %jit3A = arith.constant 0.000000e+00 : f32
    %broadcast_in_dim3A = vector.broadcast %jit3A : f32 to vector<1024x1024xf32>
    %select_n3A = arith.select %or3A, %broadcast_in_dim3A, %get3A_33 : vector<1024x1024xf32>
    %jit3A_34 = arith.constant 0.000000e+00 : f32
    %broadcast_in_dim3A_35 = vector.shape_cast %and3A : vector<1024x1xi1> to vector<1024x1xi1>
    %broadcast_in_dim3A_36 = vector.broadcast %broadcast_in_dim3A_35 : vector<1024x1xi1> to vector<1024x1024xi1>
    %broadcast_in_dim3A_37 = vector.broadcast %jit3A_34 : f32 to vector<1024x1024xf32>
    %select_n3A_38 = arith.select %broadcast_in_dim3A_36, %add3A_28, %broadcast_in_dim3A_37 : vector<1024x1024xi1>, vector<1024x1024xf32>
    %add3A_39 = arith.addf %select_n3A, %select_n3A_38 : vector<1024x1024xf32>
    %swap3A = arith.constant 0 : index
    %swap3A_40 = arith.constant 0 : index
    %swap3A_41 = vector.load %arg5[%swap3A, %swap3A_40] : memref<1024x1024xf32, #tpu.memory_space<vmem>>, vector<1024x1024xf32>
    tpu.vector_store %arg5[%swap3A, %swap3A_40], %add3A_39 {strides = array<i32>} : memref<1024x1024xf32, #tpu.memory_space<vmem>>, vector<1024x1024xf32>,
    return
  }
  func.func @transform_0(%arg0: i32, %arg1: memref<4x11xi32, #tpu.memory_space<smem>>) -> (i32, i32) {
    %get3A = arith.constant 0 : index
    %get3A_0 = arith.index_cast %arg0 : i32 to index
    %get3A_1 = memref.load %arg1[%get3A, %get3A_0] : memref<4x11xi32, #tpu.memory_space<smem>>
    %c0_i32 = arith.constant 0 : i32
    %c0_i32_2 = arith.constant 0 : i32
    return %get3A_1, %c0_i32 : i32, i32
  }
  func.func @transform_1(%arg0: i32, %arg1: memref<4x11xi32, #tpu.memory_space<smem>>) -> (i32, i32, i32) {
    %get3A = arith.constant 1 : index
    %get3A_0 = arith.index_cast %arg0 : i32 to index
    %get3A_1 = memref.load %arg1[%get3A, %get3A_0] : memref<4x11xi32, #tpu.memory_space<smem>>
    %c0_i32 = arith.constant 0 : i32
    %c0_i32_2 = arith.constant 0 : i32
    %c0_i32_3 = arith.constant 0 : i32
    return %get3A_1, %c0_i32, %c0_i32_2 : i32, i32, i32
  }
  func.func @transform_2(%arg0: i32, %arg1: memref<4x11xi32, #tpu.memory_space<smem>>) -> (i32, i32, i32) {
    %get3A = arith.constant 1 : index
    %get3A_0 = arith.index_cast %arg0 : i32 to index
    %get3A_1 = memref.load %arg1[%get3A, %get3A_0] : memref<4x11xi32, #tpu.memory_space<smem>>
    %c0_i32 = arith.constant 0 : i32
    %c0_i32_2 = arith.constant 0 : i32
    %c0_i32_3 = arith.constant 0 : i32
    return %get3A_1, %c0_i32, %c0_i32_2 : i32, i32, i32
  }
  func.func @transform_3(%arg0: i32, %arg1: memref<4x11xi32, #tpu.memory_space<smem>>) -> (i32, i32) {
    %get3A = arith.constant 0 : index
    %get3A_0 = arith.index_cast %arg0 : i32 to index
    %get3A_1 = memref.load %arg1[%get3A, %get3A_0] : memref<4x11xi32, #tpu.memory_space<smem>>
    %c0_i32 = arith.constant 0 : i32
    %c0_i32_2 = arith.constant 0 : i32
    return %get3A_1, %c0_i32 : i32, i32
  }
}

</mosaic_0001>

<sc_bundles>
// kernel: kernel.6.cloned.1.call-start
scs
__scs_entry_jumppad:
0x0: {  	(pc) =	sbr.rel $0x88, $3  }
0x1: {  	(tag) =	ssettag $0x0;
	lr =	simm.s32 $0x1  }
0x2: {  	[smem:$0x3F9C] =	sst lr;
	_ =	strace $0xD0000000  }
0x3: {  	_ = 	snop  }
0x4: {  	_ = 	snop  }
0x5: {  	_ = 	snop  }
0x6: {  	_ = 	snop  }
0x7: {  	_ = 	snop  }
__scs_overlays_trampoline_lowered:
0x8: {  	[smem:$0x3FAB] =	sst s0  }
0x9: {  	[smem:$0x3FAC] =	sst s1  }
0xa: {  	[smem:$0x3FAD] =	sst s2  }
0xb: {  	[smem:$0x3FAE] =	sst s3  }
0xc: {  	[smem:$0x3FAF] =	sst s4  }
0xd: {  	[smem:$0x3FB0] =	sst s5  }
0xe: {  	[smem:$0x3FB1] =	sst s6  }
0xf: {  	[smem:$0x3FB2] =	sst s7  }
0x10: {  	[smem:$0x3FB3] =	sst s8  }
0x11: {  	[smem:$0x3FB4] =	sst s9;
	s0 =	simm.s32 @!p0 $0x0  }
0x12: {  	s1 =	sld [smem:$0x3F9A];
	s0 =	simm.s32 @p0 $0x1  }
0x13: {  	[smem:$0x3FB5] =	sst s0;
	s0 =	simm.s32 @!p1 $0x0  }
0x14: {  	s2 =	sld [smem:$0x3F99];
	s0 =	simm.s32 @p1 $0x1  }
0x15: {  	[smem:$0x3FB6] =	sst s0;
	s0 =	simm.s32 @!p2 $0x0  }
0x16: {  	s3 =	sld [smem:$0x3FDB];
	s0 =	simm.s32 @p2 $0x1  }
0x17: {  	s4 =	simm.s32 $0x1BF5;
	[smem:$0x3FB8] =	sst s0  }
0x18: {  	s0 =	sld [smem:$0x3F9B];
	_ =	swait.ge [sflag:s4], $0x0  }
0x19: {  	s7 =	sld [smem:$0x3F9C]  }
0x1a: {  	s8 =	sadd.s32 $0xFFFFE003, lr  }
0x1b: {  	s9 =	sadd.s32 $0xFFFFFEF7, lr;
	s5 =	simm.s32 $0xFFFFFFFF;
	p2 =	slt.u32 s8, $0xFFFFF086  }
0x1c: {  	p1 =	slt.u32 s9, $0xF7A;
	s5 =	simm.s32 @!p2 $0x0  }
0x1d: {  	s5 =	simm.s32 @p1 $0x1;
	p0 =	seq.s32 s7, s2  }
0x1e: {  	s7 =	smul.u32 @!p0 $0xF7A, s2;
	p2 =	seq.s32 @!p0 s5, $0x0  }
0x1f: {  	s9 =	smul.u32 $0xF7A, s1;
	s8 =	simm.s32 @!p0 $0x1BF5;
	p2 =	por !p2, p0  }
0x20: {  	[sflag:s8] =	ssyncset.s32 @!p0 $0xFFFFF086;
	s6 =	sadd.s32 @!p0 s3, s7;
	s7 =	simm.s32 @!p0 $0x108  }
0x21: {  	s3 =	sadd.s32 s3, s9;
	s6 =	sadd.s32 @!p0 $0x88, s6;
	s7 =	simm.s32 @p2 $0x1082  }
0x22: {  	[simem:s7], [sflag:s8] =	dma.local @!p0 [hbm:s6], $0xF7A  }
0x23: {  	s9 =	sor.u32 $0xD0000000, s2;
	s6 =	simm.s32 $0x108;
	_ =	swait.ge @!p0 [sflag:s8], $0x0  }
0x24: {  	s3 =	sadd.s32 $0x88, s3;
	s6 =	simm.s32 @!p1 $0x1082;
	[sflag:s4] =	ssyncset.s32 $0xFFFFF086  }
0x25: {  	[simem:s6], [sflag:s4] =	dma.local [hbm:s3], $0xF7A  }
0x26: {  	[smem:$0x3F9C] =	sst s1;
	(tag) =	ssettag s2;
	_ =	strace s9  }
0x27: {  	s1 =	sld [smem:$0x3FAC]  }
0x28: {  	s2 =	sld [smem:$0x3FAD]  }
0x29: {  	s4 =	sld [smem:$0x3FAF]  }
0x2a: {  	p0 =	seq.s32 s5, $0x0;
	s5 =	sld [smem:$0x3FB0]  }
0x2b: {  	s6 =	sld [smem:$0x3FB1]  }
0x2c: {  	s7 =	sld [smem:$0x3FB2]  }
0x2d: {  	s3 =	simm.s32 $0x108;
	s8 =	sld [smem:$0x3FB3]  }
0x2e: {  	s3 =	simm.s32 @!p0 $0x1082;
	s9 =	sld [smem:$0x3FB4]  }
0x2f: {  	lr =	sadd.s32 s0, s3;
	s0 =	sld [smem:$0x3FAB]  }
0x30: {  	s3 =	sld [smem:$0x3FAE]  }
0x31: {  	[smem:$0x3FB7] =	sst s10  }
0x32: {  	s10 =	sld [smem:$0x3FB5];
	_ =	sdelay $0x3  }
0x33: {  	p0 =	seq.s32 s10, $0x1;
	s10 =	sld [smem:$0x3FB7];
	_ =	sdelay $0x3  }
0x34: {  	[smem:$0x3FB7] =	sst s10  }
0x35: {  	s10 =	sld [smem:$0x3FB6];
	_ =	sdelay $0x3  }
0x36: {  	p1 =	seq.s32 s10, $0x1;
	s10 =	sld [smem:$0x3FB7];
	_ =	sdelay $0x3  }
0x37: {  	[smem:$0x3FB7] =	sst s10  }
0x38: {  	s10 =	sld [smem:$0x3FB8]  }
0x39: {  	_ = 	snop;
	(pc) =	sbr.ind lr, $3  }
0x3a: {  	_ = 	snop  }
0x3b: {  	_ = 	snop  }
0x3c: {  	p2 =	seq.s32 s10, $0x1;
	s10 =	sld [smem:$0x3FB7]  }
0x3d: {  	_ =	shalt  }
0x3e: {  	_ =	shalt  }
0x3f: {  	_ =	shalt  }
0x40: {  	_ =	shalt  }
0x41: {  	_ =	shalt  }
0x42: {  	_ =	shalt  }
0x43: {  	_ =	shalt  }
0x44: {  	_ =	shalt  }
0x45: {  	_ =	shalt  }
0x46: {  	_ =	shalt  }
0x47: {  	_ =	shalt  }
0x48: {  	_ =	shalt  }
0x49: {  	_ =	shalt  }
0x4a: {  	_ =	shalt  }
0x4b: {  	_ =	shalt  }
0x4c: {  	_ =	shalt  }
0x4d: {  	_ =	shalt  }
0x4e: {  	_ =	shalt  }
0x4f: {  	_ =	shalt  }
0x50: {  	_ =	shalt  }
0x51: {  	_ =	shalt  }
0x52: {  	_ =	shalt  }
0x53: {  	_ =	shalt  }
0x54: {  	_ =	shalt  }
0x55: {  	_ =	shalt  }
0x56: {  	_ =	shalt  }
0x57: {  	_ =	shalt  }
0x58: {  	_ =	shalt  }
0x59: {  	_ =	shalt  }
0x5a: {  	_ =	shalt  }
0x5b: {  	_ =	shalt  }
0x5c: {  	_ =	shalt  }
0x5d: {  	_ =	shalt  }
0x5e: {  	_ =	shalt  }
0x5f: {  	_ =	shalt  }
0x60: {  	_ =	shalt  }
0x61: {  	_ =	shalt  }
0x62: {  	_ =	shalt  }
0x63: {  	_ =	shalt  }
0x64: {  	_ =	shalt  }
0x65: {  	_ =	shalt  }
0x66: {  	_ =	shalt  }
0x67: {  	_ =	shalt  }
0x68: {  	_ =	shalt  }
0x69: {  	_ =	shalt  }
0x6a: {  	_ =	shalt  }
0x6b: {  	_ =	shalt  }
0x6c: {  	_ =	shalt  }
0x6d: {  	_ =	shalt  }
0x6e: {  	_ =	shalt  }
0x6f: {  	_ =	shalt  }
0x70: {  	_ =	shalt  }
0x71: {  	_ =	shalt  }
0x72: {  	_ =	shalt  }
0x73: {  	_ =	shalt  }
0x74: {  	_ =	shalt  }
0x75: {  	_ =	shalt  }
0x76: {  	_ =	shalt  }
0x77: {  	_ =	shalt  }
0x78: {  	_ =	shalt  }
0x79: {  	_ =	shalt  }
0x7a: {  	_ =	shalt  }
0x7b: {  	_ =	shalt  }
0x7c: {  	_ =	shalt  }
0x7d: {  	_ =	shalt  }
0x7e: {  	_ =	shalt  }
0x7f: {  	_ =	shalt  }
0x80: {  	_ =	shalt  }
0x81: {  	_ =	shalt  }
0x82: {  	_ =	shalt  }
0x83: {  	_ =	shalt  }
0x84: {  	_ =	shalt  }
0x85: {  	_ =	shalt  }
0x86: {  	_ =	shalt  }
0x87: {  	_ =	shalt  }
.Lfunc_end0:
.L_simem_size_0:
called_computation_lowered:
.L_overlay_start_0:
0x88: {  	s2 =	sld [smem:$0x3FD9]  }
0x89: {  	s3 =	sld [smem:$0x3FFE];
	_ =	sdelay $0x1  }
0x8a: {  	s1 =	srdreg.scid  }
0x8b: {  	s0 =	sand.u32 $0x1, s1  }
0x8c: {  	s17 =	sshll.u32 s0, $0xA;
	s2 =	sadd.s32 s3, s2  }
0x8d: {  	s2 =	sadd.s32 s2, s17  }
0x8e: {  	[smem:$0x3FC3] =	sst s2  }
0x8f: {  	_ = 	snop  }
0x90: {  	s2 =	sld [smem:$0x3FC9]  }
0x91: {  	s18 =	sld [smem:$0x3FD0];
	(tm) =	ssettm $0x1  }
0x92: {  	s4 =	sld [smem:$0x3FFB];
	_ =	sdelay $0x3  }
0x93: {  	_ =	strace s4  }
0x94: {  	s4 =	sld [smem:$0x3FFC];
	_ =	sdelay $0x3  }
0x95: {  	_ =	strace s4  }
0x96: {  	s4 =	sld [smem:$0x3FFD];
	_ =	sdelay $0x3  }
0x97: {  	_ =	strace s4  }
0x98: {  	_ =	strace $0x8FFFFFFF  }
0x99: {  	s19 =	sld [smem:$0x3FDB];
	_ =	sdelay $0x1  }
0x9a: {  	s5 =	simm.s32 $_scs_section_size  }
0x9b: {  	s6 =	simm.s32 $_size__tile_overlayer_lowered;
	s7 =	simm.s32 $_tile_overlayer_lowered  }
0x9c: {  	s22 =	simm.s32 $0x1BFF;
	s21 =	sshll.u32 s7, $0x1;
	s4 =	sadd.s32 s5, s19  }
0x9d: {  	s8 =	simm.s32 $0x0;
	s20 =	sshll.u32 s6, $0x1;
	s6 =	sadd.s32 s21, s4  }
0x9e: {  	[timem:s8], [sflag:s22] =	dma.local [hbm:s6], s20  }
0x9f: {  	_ =	swait.ge [sflag:s22], s20  }
0xa0: {  	s5 =	ssub.s32 $0x0, s20;
	[sflag:s22] =	ssyncset.done $0x0  }
0xa1: {  	[sflag:s22] =	ssyncadd.s32 s5;
	_ =	sdelay $0x1  }
0xa2: {  	s23 =	simm.s32 $0x1B8B  }
0xa3: {  	_ =	swait.ge [sflag:s23], $0x1  }
0xa4: {  	[sflag:s23] =	ssyncset.done $0x0  }
0xa5: {  	s25 =	simm.s32 $0x1B8E;
	s24 =	sld [smem:$0x3FFE];
	[sflag:s23] =	ssyncadd.s32 $0xFFFFFFFF  }
0xa6: {  	s26 =	simm.s32 $execute0_lowered;
	[smem:$0x3FD2] =	sst s25  }
0xa7: {  	s6 =	sshll.u32 s26, $0x1;
	_ =	strace $0x80000046;
	[dreg:$0x1] =	wrdreg $0xFFFFFFFF  }
0xa8: {  	s28 =	simm.s32 $_size_execute0_lowered;
	s4 =	sadd.s32 s4, s6;
	[dreg:$0x0] =	wrdreg $0x0  }
0xa9: {  	s6 =	sshll.u32 s28, $0x1;
	[dreg:$0x2] =	wrdreg s4  }
0xaa: {  	[dreg:$0x3] =	wrdreg s6  }
0xab: {  	[dreg:$0x4] =	wrdreg $0xC0  }
0xac: {  	_ =	task [dreg:s8], $0x5FFFF  }
0xad: {  	[dreg:$0x1] =	wrdreg $0xFFFFFFFF  }
0xae: {  	[dreg:$0x0] =	wrdreg $0x60  }
0xaf: {  	[dreg:$0x2] =	wrdreg s2  }
0xb0: {  	[dreg:$0x3] =	wrdreg s24  }
0xb1: {  	[dreg:$0x4] =	wrdreg s18  }
0xb2: {  	[dreg:$0x5] =	wrdreg $0x9  }
0xb3: {  	_ =	task.clear_ibuf [dreg:s8], $0x6FFFF;
	_ =	strace $0x90000046  }
0xb4: {  	s29 =	simm.s32 $0x9;
	_ =	strace $0x80000048  }
0xb5: {  	_ =	swait.ge [sflag:s29], $0x1  }
0xb6: {  	[sflag:s29] =	ssyncadd.s32 $0xFFFFFFFF  }
0xb7: {  	_ =	strace $0x90000048  }
0xb8: {  	_ =	sfence  }
0xb9: {  	s30 =	sld [smem:$0x0];
	_ =	sdelay $0x2  }
0xba: {  	s31 =	sshll.u32 s1, $0xD;
	s1 =	sshrl.u32 s1, $0x2  }
0xbb: {  	s3 =	sand.u32 $0x4000, s31;
	s1 =	sadd.s32 s1, s30  }
0xbc: {  	s0 =	sor.u32 s3, s0;
	s1 =	sshll.u32 s1, $0x11  }
0xbd: {  	s0 =	sor.u32 s1, s0  }
0xbe: {  	s0 =	sadd.s32 $0x8F2B, s0  }
0xbf: {  	[sflag:s0] =	ssyncadd.remote.s32 $0x1  }
0xc0: {  	_ =	sfence.sel $0xFFFF  }
0xc1: {  	[dreg:$0x0] =	wrdreg $0xFFFFFFFF;
	(pc) =	sbr.abs _section_cstart, $3  }
0xc2: {  	[dreg:$0x1] =	wrdreg $0xFFFFFFFF  }
0xc3: {  	_ =	task.clear_ibuf [dreg:s8], $0x2FFFF;
	_ =	strace $0x9FFFFFFF  }
0xc4: {  	(tm) =	ssettm $0x7FFFFFFF  }
0xc5: {  	_ =	shalt  }
tec
execute0_lowered:
.L_overlay_start_1:
0x0: {  	(tag) =	ssettag $0x1  }
0x1: {  	s1 =	rddreg [dreg:$0x0]  }
0x2: {  	s0 =	srdreg.scid;
	s6 =	rddreg [dreg:$0x1]  }
0x3: {  	s2 =	stileid.u32;
	s3 =	rddreg [dreg:$0x2]  }
0x4: {  	s30 =	simm.s32 $0x10100;
	s31 =	simm.s32 $0x10200;
	s29 =	simm.s32 $0x2  }
0x5: {  	s28 =	simm.s32 $0x8900;
	s10 =	simm.s32 $0x9100;
	s15 =	simm.s32 $0x9900  }
0x6: {  	s14 =	simm.s32 $0xA100;
	s11 =	simm.s32 $0xB900;
	s13 =	simm.s32 $0xC100  }
0x7: {  	s16 =	simm.s32 $0xC900;
	s17 =	simm.s32 $0xD100;
	s18 =	simm.s32 $0xD900  }
0x8: {  	s19 =	simm.s32 $0xE100;
	s12 =	simm.s32 $0x4;
	s0 =	sand.u32 $0x1, s0  }
0x9: {  	s2 =	sshll.u32 s2, $0x8;
	s7 =	sadd.s32 $0x200, s3;
	s4 =	sshll.u32 s0, $0x7  }
0xa: {  	s0 =	ssub.s32 $0x2, s0;
	s2 =	sor.u32 s4, s2;
	s4 =	simm.s32 $0x0  }
0xb: {  	s8 =	sadd.s32 $0x300, s3;
	s24 =	sshrl.u32 s0, $0x1;
	[smem:$0x7FF] =	sst s4  }
0xc: {  	s5 =	sshll.u32 s2, $0x7;
	_ =	strace $0x80000047;
	[dreg:$0xa] =	wrdreg s30  }
0xd: {  	s2 =	sshrl.u32 s2, $0x3;
	s9 =	sadd.s32 s1, s5;
	[dreg:$0xb] =	wrdreg s31  }
0xe: {  	s20 =	sadd.s32 s2, s6;
	s21 =	sadd.s32 $0x1000, s9;
	[dreg:$0xc] =	wrdreg s9  }
0xf: {  	s0 =	ssub.s32 s0, s24;
	s22 =	sadd.s32 $0x200, s20;
	[dreg:$0x4] =	wrdreg s21  }
0x10: {  	s24 =	simm.s32 $0x5;
	s23 =	sadd.s32 $0x400, s20;
	[dreg:$0x5] =	wrdreg s22  }
0x11: {  	s6 =	sadd.s32 $0x100, s3;
	s1 =	sadd.s32 $0x600, s20;
	[dreg:$0x6] =	wrdreg s23  }
0x12: {  	s5 =	simm.s32 $0xB100;
	s25 =	sadd.s32 $0x2000, s9;
	[dreg:$0x7] =	wrdreg s1  }
0x13: {  	v2 =	vlaneseq.u32;
	s26 =	sadd.s32 $0x3000, s9;
	s9 =	smax.u32 s0, $0x1;
	[dreg:$0x8] =	wrdreg s25  }
0x14: {  	vm0 =	vmmov $0xffff;
	v1 =	vshrl.u32 v2, $0x3;
	s20 =	simm.s32 $0xE900;
	[dreg:$0x9] =	wrdreg s26;
	s25 =	simm.s32 $0x7100  }
0x15: {  	v0 =	vand.u32 $0x7, v2;
	v2 =	vor.u32 $0x8, v2;
	v1 =	vmul.u32 $0x8, v1;
	s26 =	simm.s32 $0x7900;
	s21 =	simm.s32 $0xF100;
	s22 =	simm.s32 $0xF900  }
.LBB2_1:
0x16: {  	s30 =	rddreg [dreg:$0x4]  }
0x17: {  	s31 =	rddreg [dreg:$0xc];
	s0 =	simm.s32 $0x100  }
0x18: {  	[tilespmem:s0], [sflag:$0x1] =	stream.linear.gather [hbm4b:s31+s4], $0x8000, $0x38;
	[tilespmem:$0x10300] =	vst v63  }
0x19: {  	s1 =	rddreg [dreg:$0xa];
	s2 =	simm.s32 $0x8100  }
0x1a: {  	[tilespmem:s2], [sflag:$0x2] =	stream.linear.gather [hbm4b:s30+s4], $0x8000, $0x38;
	[tilespmem:$0x10300] =	vst v63  }
0x1b: {  	s23 =	rddreg [dreg:$0x1]  }
0x1c: {  	[tilespmem:s1], [sflag:$0x5] =	stream.linear.gather [hbm4b:s23+s4], $0x80, $0x38;
	[tilespmem:$0x10300] =	vst v63  }
0x1d: {  	_ =	swait.ge [sflag:s24], $0x80  }
0x1e: {  	[sflag:s24] =	ssyncset.done $0x0  }
0x1f: {  	[sflag:s24] =	ssyncadd.s32 $0xFFFFFF80  }
0x20: {  	v3 =	vld [tilespmem:$0x10100];
	_ =	sdelay $0x3  }
0x21: {  	s0 =	rddreg [dreg:$0x5]  }
0x22: {  	s1 =	rddreg [dreg:$0xb];
	[tilespmem:$0x10180] =	vst v3  }
0x23: {  	[tilespmem:s1], [sflag:$0x5] =	stream.linear.gather [hbm4b:s0+s4], $0x80, $0x38;
	[tilespmem:$0x10300] =	vst v63  }
0x24: {  	_ =	swait.ge [sflag:s24], $0x80  }
0x25: {  	[sflag:s24] =	ssyncset.done $0x0  }
0x26: {  	s23 =	simm.s32 $0x10280;
	s2 =	rddreg [dreg:$0x6];
	[sflag:s24] =	ssyncadd.s32 $0xFFFFFF80  }
0x27: {  	[tilespmem:s23], [sflag:$0x5] =	stream.linear.gather [hbm4b:s2+s4], $0x80, $0x38;
	[tilespmem:$0x10300] =	vst v63  }
0x28: {  	_ =	swait.ge [sflag:s24], $0x80  }
0x29: {  	[sflag:s24] =	ssyncset.done $0x0  }
0x2a: {  	[sflag:s24] =	ssyncadd.s32 $0xFFFFFF80  }
0x2b: {  	v3 =	vld [tilespmem:$0x10200];
	_ =	sdelay $0x5  }
0x2c: {  	v4 =	vld [tilespmem:$0x10280]  }
0x2d: {  	s1 =	simm.s32 $0x10180;
	v5 =	vld [tilespmem:$0x10210]  }
0x2e: {  	v3 =	vld.idx.msk [tilespmem:v3+s1+$0x0], $0xffff;
	_ =	sdelay $0x4  }
0x2f: {  	v40 =	vld [tilespmem:$0x10290];
	v3 =	vadd.s32 v4, v3  }
0x30: {  	[tilespmem:$0x10280] =	vst v3;
	v3 =	vld [tilespmem:$0x10220]  }
0x31: {  	v5 =	vld.idx.msk [tilespmem:v5+s1+$0x0], $0xffff;
	_ =	sdelay $0x4  }
0x32: {  	v41 =	vld [tilespmem:$0x102A0];
	v4 =	vadd.s32 v40, v5  }
0x33: {  	v42 =	vld [tilespmem:$0x10230];
	[tilespmem:$0x10290] =	vst v4  }
0x34: {  	v3 =	vld.idx.msk [tilespmem:v3+s1+$0x0], $0xffff;
	_ =	sdelay $0x4  }
0x35: {  	v43 =	vld [tilespmem:$0x102B0];
	v3 =	vadd.s32 v41, v3  }
0x36: {  	[tilespmem:$0x102A0] =	vst v3;
	v3 =	vld [tilespmem:$0x10240]  }
0x37: {  	v4 =	vld.idx.msk [tilespmem:v42+s1+$0x0], $0xffff;
	_ =	sdelay $0x4  }
0x38: {  	v44 =	vld [tilespmem:$0x102C0];
	v4 =	vadd.s32 v43, v4  }
0x39: {  	v45 =	vld [tilespmem:$0x10250];
	[tilespmem:$0x102B0] =	vst v4  }
0x3a: {  	v3 =	vld.idx.msk [tilespmem:v3+s1+$0x0], $0xffff;
	_ =	sdelay $0x4  }
0x3b: {  	v46 =	vld [tilespmem:$0x102D0];
	v3 =	vadd.s32 v44, v3  }
0x3c: {  	[tilespmem:$0x102C0] =	vst v3;
	v3 =	vld [tilespmem:$0x10260]  }
0x3d: {  	v4 =	vld.idx.msk [tilespmem:v45+s1+$0x0], $0xffff;
	_ =	sdelay $0x4  }
0x3e: {  	v47 =	vld [tilespmem:$0x102E0];
	v4 =	vadd.s32 v46, v4  }
0x3f: {  	v48 =	vld [tilespmem:$0x10270];
	[tilespmem:$0x102D0] =	vst v4  }
0x40: {  	v3 =	vld.idx.msk [tilespmem:v3+s1+$0x0], $0xffff;
	_ =	sdelay $0x4  }
0x41: {  	v3 =	vadd.s32 v47, v3  }
0x42: {  	[tilespmem:$0x102E0] =	vst v3;
	v3 =	vld [tilespmem:$0x102F0]  }
0x43: {  	v4 =	vld.idx.msk [tilespmem:v48+s1+$0x0], $0xffff;
	_ =	sdelay $0x4  }
0x44: {  	v3 =	vadd.s32 v3, v4  }
0x45: {  	s2 =	rddreg [dreg:$0x7];
	[tilespmem:$0x102F0] =	vst v3  }
0x46: {  	[hbm4b:s2+s4] =	stream.linear.scatter [tilespmem:s23], [sflag:$0x5], $0x80, $0x38;
	[tilespmem:$0x10300] =	vst v63  }
0x47: {  	_ =	swait.ge [sflag:s24], $0x80  }
0x48: {  	[sflag:s24] =	ssyncset.done $0x0  }
0x49: {  	[sflag:s24] =	ssyncadd.s32 $0xFFFFFF80  }
0x4a: {  	v3 =	vld [tilespmem:$0x10280];
	_ =	sdelay $0x4  }
0x4b: {  	v49 =	vshll.u32 v3, $0x3  }
0x4c: {  	v50 =	vld [tilespmem:$0x10290];
	v6 =	vand.u32 $0x7, v3;
	v4 =	vand.u32 $0xFFFFFFC0, v49  }
0x4d: {  	v4 =	vor.u32 v6, v4  }
0x4e: {  	v6 =	vperm.xlane v4, v0;
	_ =	sdelay $0x1  }
0x4f: {  	[tilespmem:$0x0] =	vst v3;
	v3 =	vadd.s32 v1, v6  }
0x50: {  	s1 =	simm.s32 $0x1;
	[tilespmem:$0x10] =	vst v50  }
0x51: {  	_ =	swait.ge [sflag:s1], $0x8000  }
0x52: {  	[sflag:s1] =	ssyncset.done $0x0  }
0x53: {  	s2 =	simm.s32 $0x100;
	[sflag:s1] =	ssyncadd.s32 $0xFFFF8000  }
0x54: {  	[hbm4b:s3+s4] =	stream.indirect_vreg.scatter [tilespmem:s2], [sflag:$0x3], $0x80, v3, vm0, $0xb8;
	[tilespmem:$0x10300] =	vst v63  }
0x55: {  	s31 =	simm.s32 $0x900;
	v4 =	vperm.xlane v4, v2  }
0x56: {  	[hbm4b:s6+s4] =	stream.indirect_vreg.scatter [tilespmem:s31], [sflag:$0x3], $0x80, v3, vm0, $0xb8;
	[tilespmem:$0x10300] =	vst v63  }
0x57: {  	s23 =	simm.s32 $0x1100;
	v4 =	vadd.s32 v1, v4  }
0x58: {  	[hbm4b:s7+s4] =	stream.indirect_vreg.scatter [tilespmem:s23], [sflag:$0x3], $0x80, v3, vm0, $0xb8;
	[tilespmem:$0x10300] =	vst v63  }
0x59: {  	s30 =	simm.s32 $0x1900  }
0x5a: {  	[hbm4b:s8+s4] =	stream.indirect_vreg.scatter [tilespmem:s30], [sflag:$0x3], $0x80, v3, vm0, $0xb8;
	[tilespmem:$0x10300] =	vst v63  }
0x5b: {  	s23 =	simm.s32 $0x2100  }
0x5c: {  	[hbm4b:s3+s4] =	stream.indirect_vreg.scatter [tilespmem:s23], [sflag:$0x3], $0x80, v4, vm0, $0xb8;
	[tilespmem:$0x10300] =	vst v63  }
0x5d: {  	s30 =	simm.s32 $0x2900  }
0x5e: {  	[hbm4b:s6+s4] =	stream.indirect_vreg.scatter [tilespmem:s30], [sflag:$0x3], $0x80, v4, vm0, $0xb8;
	[tilespmem:$0x10300] =	vst v63  }
0x5f: {  	s23 =	simm.s32 $0x3100  }
0x60: {  	[hbm4b:s7+s4] =	stream.indirect_vreg.scatter [tilespmem:s23], [sflag:$0x3], $0x80, v4, vm0, $0xb8;
	[tilespmem:$0x10300] =	vst v63  }
0x61: {  	s30 =	simm.s32 $0x3900  }
0x62: {  	[hbm4b:s8+s4] =	stream.indirect_vreg.scatter [tilespmem:s30], [sflag:$0x3], $0x80, v4, vm0, $0xb8;
	[tilespmem:$0x10300] =	vst v63  }
0x63: {  	v3 =	vld [tilespmem:$0x10];
	_ =	sdelay $0x4  }
0x64: {  	v51 =	vshll.u32 v3, $0x3  }
0x65: {  	v3 =	vand.u32 $0x7, v3;
	v4 =	vand.u32 $0xFFFFFFC0, v51  }
0x66: {  	v3 =	vor.u32 v3, v4  }
0x67: {  	v4 =	vperm.xlane v3, v0;
	_ =	sdelay $0x1  }
0x68: {  	v4 =	vadd.s32 v1, v4;
	_ =	sdelay $0x3  }
0x69: {  	s23 =	simm.s32 $0x4100  }
0x6a: {  	[hbm4b:s3+s4] =	stream.indirect_vreg.scatter [tilespmem:s23], [sflag:$0x3], $0x80, v4, vm0, $0xb8;
	[tilespmem:$0x10300] =	vst v63  }
0x6b: {  	s30 =	simm.s32 $0x4900;
	v3 =	vperm.xlane v3, v2  }
0x6c: {  	[hbm4b:s6+s4] =	stream.indirect_vreg.scatter [tilespmem:s30], [sflag:$0x3], $0x80, v4, vm0, $0xb8;
	[tilespmem:$0x10300] =	vst v63  }
0x6d: {  	v3 =	vadd.s32 v1, v3;
	s23 =	simm.s32 $0x5100  }
0x6e: {  	[hbm4b:s7+s4] =	stream.indirect_vreg.scatter [tilespmem:s23], [sflag:$0x3], $0x80, v4, vm0, $0xb8;
	[tilespmem:$0x10300] =	vst v63  }
0x6f: {  	s30 =	simm.s32 $0x5900  }
0x70: {  	[hbm4b:s8+s4] =	stream.indirect_vreg.scatter [tilespmem:s30], [sflag:$0x3], $0x80, v4, vm0, $0xb8;
	[tilespmem:$0x10300] =	vst v63  }
0x71: {  	s23 =	simm.s32 $0x6100  }
0x72: {  	[hbm4b:s3+s4] =	stream.indirect_vreg.scatter [tilespmem:s23], [sflag:$0x3], $0x80, v3, vm0, $0xb8;
	[tilespmem:$0x10300] =	vst v63  }
0x73: {  	s30 =	simm.s32 $0x6900  }
0x74: {  	[hbm4b:s6+s4] =	stream.indirect_vreg.scatter [tilespmem:s30], [sflag:$0x3], $0x80, v3, vm0, $0xb8;
	[tilespmem:$0x10300] =	vst v63  }
0x75: {  	_ = 	snop  }
0x76: {  	[hbm4b:s7+s4] =	stream.indirect_vreg.scatter [tilespmem:s25], [sflag:$0x3], $0x80, v3, vm0, $0xb8;
	[tilespmem:$0x10300] =	vst v63  }
0x77: {  	s0 =	simm.s32 $0x3  }
0x78: {  	[hbm4b:s8+s4] =	stream.indirect_vreg.scatter [tilespmem:s26], [sflag:$0x3], $0x80, v3, vm0, $0xb8;
	[tilespmem:$0x10300] =	vst v63  }
0x79: {  	_ =	swait.ge [sflag:s0], $0x8000  }
0x7a: {  	[sflag:s0] =	ssyncset.done $0x0  }
0x7b: {  	s23 =	rddreg [dreg:$0x8];
	[sflag:s0] =	ssyncadd.s32 $0xFFFF8000  }
0x7c: {  	[tilespmem:s2], [sflag:$0x1] =	stream.linear.gather [hbm4b:s23+s4], $0x8000, $0x38;
	[tilespmem:$0x10300] =	vst v63  }
0x7d: {  	v3 =	vld [tilespmem:$0x102A0];
	_ =	sdelay $0x4  }
0x7e: {  	v52 =	vshll.u32 v3, $0x3  }
0x7f: {  	v53 =	vld [tilespmem:$0x102B0];
	v54 =	vand.u32 $0x7, v3;
	v4 =	vand.u32 $0xFFFFFFC0, v52  }
0x80: {  	v4 =	vor.u32 v54, v4  }
0x81: {  	v6 =	vperm.xlane v4, v0;
	_ =	sdelay $0x1  }
0x82: {  	[tilespmem:$0x80] =	vst v3;
	v3 =	vadd.s32 v1, v6  }
0x83: {  	[tilespmem:$0x90] =	vst v53  }
0x84: {  	_ =	swait.ge [sflag:s29], $0x8000  }
0x85: {  	[sflag:s29] =	ssyncset.done $0x0  }
0x86: {  	s23 =	simm.s32 $0x8100;
	[sflag:s29] =	ssyncadd.s32 $0xFFFF8000  }
0x87: {  	[hbm4b:s3+s4] =	stream.indirect_vreg.scatter [tilespmem:s23], [sflag:$0x4], $0x80, v3, vm0, $0xb8;
	[tilespmem:$0x10300] =	vst v63  }
0x88: {  	v4 =	vperm.xlane v4, v2  }
0x89: {  	[hbm4b:s6+s4] =	stream.indirect_vreg.scatter [tilespmem:s28], [sflag:$0x4], $0x80, v3, vm0, $0xb8;
	[tilespmem:$0x10300] =	vst v63  }
0x8a: {  	v4 =	vadd.s32 v1, v4  }
0x8b: {  	[hbm4b:s7+s4] =	stream.indirect_vreg.scatter [tilespmem:s10], [sflag:$0x4], $0x80, v3, vm0, $0xb8;
	[tilespmem:$0x10300] =	vst v63  }
0x8c: {  	_ = 	snop  }
0x8d: {  	[hbm4b:s8+s4] =	stream.indirect_vreg.scatter [tilespmem:s15], [sflag:$0x4], $0x80, v3, vm0, $0xb8;
	[tilespmem:$0x10300] =	vst v63  }
0x8e: {  	_ = 	snop  }
0x8f: {  	[hbm4b:s3+s4] =	stream.indirect_vreg.scatter [tilespmem:s14], [sflag:$0x4], $0x80, v4, vm0, $0xb8;
	[tilespmem:$0x10300] =	vst v63  }
0x90: {  	s2 =	simm.s32 $0xA900  }
0x91: {  	[hbm4b:s6+s4] =	stream.indirect_vreg.scatter [tilespmem:s2], [sflag:$0x4], $0x80, v4, vm0, $0xb8;
	[tilespmem:$0x10300] =	vst v63  }
0x92: {  	_ = 	snop  }
0x93: {  	[hbm4b:s7+s4] =	stream.indirect_vreg.scatter [tilespmem:s5], [sflag:$0x4], $0x80, v4, vm0, $0xb8;
	[tilespmem:$0x10300] =	vst v63  }
0x94: {  	_ = 	snop  }
0x95: {  	[hbm4b:s8+s4] =	stream.indirect_vreg.scatter [tilespmem:s11], [sflag:$0x4], $0x80, v4, vm0, $0xb8;
	[tilespmem:$0x10300] =	vst v63  }
0x96: {  	v3 =	vld [tilespmem:$0x90];
	_ =	sdelay $0x4  }
0x97: {  	v55 =	vshll.u32 v3, $0x3  }
0x98: {  	v3 =	vand.u32 $0x7, v3;
	v4 =	vand.u32 $0xFFFFFFC0, v55  }
0x99: {  	v3 =	vor.u32 v3, v4  }
0x9a: {  	v4 =	vperm.xlane v3, v0;
	_ =	sdelay $0x1  }
0x9b: {  	v4 =	vadd.s32 v1, v4;
	_ =	sdelay $0x4  }
0x9c: {  	[hbm4b:s3+s4] =	stream.indirect_vreg.scatter [tilespmem:s13], [sflag:$0x4], $0x80, v4, vm0, $0xb8;
	[tilespmem:$0x10300] =	vst v63  }
0x9d: {  	v3 =	vperm.xlane v3, v2  }
0x9e: {  	[hbm4b:s6+s4] =	stream.indirect_vreg.scatter [tilespmem:s16], [sflag:$0x4], $0x80, v4, vm0, $0xb8;
	[tilespmem:$0x10300] =	vst v63  }
0x9f: {  	v3 =	vadd.s32 v1, v3  }
0xa0: {  	[hbm4b:s7+s4] =	stream.indirect_vreg.scatter [tilespmem:s17], [sflag:$0x4], $0x80, v4, vm0, $0xb8;
	[tilespmem:$0x10300] =	vst v63  }
0xa1: {  	_ = 	snop  }
0xa2: {  	[hbm4b:s8+s4] =	stream.indirect_vreg.scatter [tilespmem:s18], [sflag:$0x4], $0x80, v4, vm0, $0xb8;
	[tilespmem:$0x10300] =	vst v63  }
0xa3: {  	_ = 	snop  }
0xa4: {  	[hbm4b:s3+s4] =	stream.indirect_vreg.scatter [tilespmem:s19], [sflag:$0x4], $0x80, v3, vm0, $0xb8;
	[tilespmem:$0x10300] =	vst v63  }
0xa5: {  	_ = 	snop  }
0xa6: {  	[hbm4b:s6+s4] =	stream.indirect_vreg.scatter [tilespmem:s20], [sflag:$0x4], $0x80, v3, vm0, $0xb8;
	[tilespmem:$0x10300] =	vst v63  }
0xa7: {  	_ = 	snop  }
0xa8: {  	[hbm4b:s7+s4] =	stream.indirect_vreg.scatter [tilespmem:s21], [sflag:$0x4], $0x80, v3, vm0, $0xb8;
	[tilespmem:$0x10300] =	vst v63  }
0xa9: {  	_ = 	snop  }
0xaa: {  	[hbm4b:s8+s4] =	stream.indirect_vreg.scatter [tilespmem:s22], [sflag:$0x4], $0x80, v3, vm0, $0xb8;
	[tilespmem:$0x10300] =	vst v63  }
0xab: {  	_ =	swait.ge [sflag:s12], $0x8000  }
0xac: {  	[sflag:s12] =	ssyncset.done $0x0  }
0xad: {  	s30 =	rddreg [dreg:$0x9];
	[sflag:s12] =	ssyncadd.s32 $0xFFFF8000  }
0xae: {  	[tilespmem:s23], [sflag:$0x2] =	stream.linear.gather [hbm4b:s30+s4], $0x8000, $0x38;
	[tilespmem:$0x10300] =	vst v63  }
0xaf: {  	v3 =	vld [tilespmem:$0x102C0];
	_ =	sdelay $0x4  }
0xb0: {  	v56 =	vshll.u32 v3, $0x3  }
0xb1: {  	v57 =	vld [tilespmem:$0x102D0];
	v58 =	vand.u32 $0x7, v3;
	v4 =	vand.u32 $0xFFFFFFC0, v56  }
0xb2: {  	v4 =	vor.u32 v58, v4  }
0xb3: {  	v6 =	vperm.xlane v4, v0;
	_ =	sdelay $0x1  }
0xb4: {  	[tilespmem:$0x0] =	vst v3;
	v3 =	vadd.s32 v1, v6  }
0xb5: {  	[tilespmem:$0x10] =	vst v57  }
0xb6: {  	_ =	swait.ge [sflag:s1], $0x8000  }
0xb7: {  	[sflag:s1] =	ssyncset.done $0x0  }
0xb8: {  	s30 =	simm.s32 $0x100;
	[sflag:s1] =	ssyncadd.s32 $0xFFFF8000  }
0xb9: {  	[hbm4b:s3+s4] =	stream.indirect_vreg.scatter [tilespmem:s30], [sflag:$0x3], $0x80, v3, vm0, $0xb8;
	[tilespmem:$0x10300] =	vst v63  }
0xba: {  	v4 =	vperm.xlane v4, v2  }
0xbb: {  	[hbm4b:s6+s4] =	stream.indirect_vreg.scatter [tilespmem:s31], [sflag:$0x3], $0x80, v3, vm0, $0xb8;
	[tilespmem:$0x10300] =	vst v63  }
0xbc: {  	v4 =	vadd.s32 v1, v4;
	s30 =	simm.s32 $0x1100  }
0xbd: {  	[hbm4b:s7+s4] =	stream.indirect_vreg.scatter [tilespmem:s30], [sflag:$0x3], $0x80, v3, vm0, $0xb8;
	[tilespmem:$0x10300] =	vst v63  }
0xbe: {  	s31 =	simm.s32 $0x1900  }
0xbf: {  	[hbm4b:s8+s4] =	stream.indirect_vreg.scatter [tilespmem:s31], [sflag:$0x3], $0x80, v3, vm0, $0xb8;
	[tilespmem:$0x10300] =	vst v63  }
0xc0: {  	s30 =	simm.s32 $0x2100  }
0xc1: {  	[hbm4b:s3+s4] =	stream.indirect_vreg.scatter [tilespmem:s30], [sflag:$0x3], $0x80, v4, vm0, $0xb8;
	[tilespmem:$0x10300] =	vst v63  }
0xc2: {  	s31 =	simm.s32 $0x2900  }
0xc3: {  	[hbm4b:s6+s4] =	stream.indirect_vreg.scatter [tilespmem:s31], [sflag:$0x3], $0x80, v4, vm0, $0xb8;
	[tilespmem:$0x10300] =	vst v63  }
0xc4: {  	s30 =	simm.s32 $0x3100  }
0xc5: {  	[hbm4b:s7+s4] =	stream.indirect_vreg.scatter [tilespmem:s30], [sflag:$0x3], $0x80, v4, vm0, $0xb8;
	[tilespmem:$0x10300] =	vst v63  }
0xc6: {  	s31 =	simm.s32 $0x3900  }
0xc7: {  	[hbm4b:s8+s4] =	stream.indirect_vreg.scatter [tilespmem:s31], [sflag:$0x3], $0x80, v4, vm0, $0xb8;
	[tilespmem:$0x10300] =	vst v63  }
0xc8: {  	v3 =	vld [tilespmem:$0x10];
	_ =	sdelay $0x4  }
0xc9: {  	v59 =	vshll.u32 v3, $0x3  }
0xca: {  	v3 =	vand.u32 $0x7, v3;
	v4 =	vand.u32 $0xFFFFFFC0, v59  }
0xcb: {  	v3 =	vor.u32 v3, v4  }
0xcc: {  	v4 =	vperm.xlane v3, v0;
	_ =	sdelay $0x1  }
0xcd: {  	v4 =	vadd.s32 v1, v4;
	_ =	sdelay $0x3  }
0xce: {  	s30 =	simm.s32 $0x4100  }
0xcf: {  	[hbm4b:s3+s4] =	stream.indirect_vreg.scatter [tilespmem:s30], [sflag:$0x3], $0x80, v4, vm0, $0xb8;
	[tilespmem:$0x10300] =	vst v63  }
0xd0: {  	s31 =	simm.s32 $0x4900;
	v3 =	vperm.xlane v3, v2  }
0xd1: {  	[hbm4b:s6+s4] =	stream.indirect_vreg.scatter [tilespmem:s31], [sflag:$0x3], $0x80, v4, vm0, $0xb8;
	[tilespmem:$0x10300] =	vst v63  }
0xd2: {  	v3 =	vadd.s32 v1, v3;
	s30 =	simm.s32 $0x5100  }
0xd3: {  	[hbm4b:s7+s4] =	stream.indirect_vreg.scatter [tilespmem:s30], [sflag:$0x3], $0x80, v4, vm0, $0xb8;
	[tilespmem:$0x10300] =	vst v63  }
0xd4: {  	s31 =	simm.s32 $0x5900  }
0xd5: {  	[hbm4b:s8+s4] =	stream.indirect_vreg.scatter [tilespmem:s31], [sflag:$0x3], $0x80, v4, vm0, $0xb8;
	[tilespmem:$0x10300] =	vst v63  }
0xd6: {  	s30 =	simm.s32 $0x6100  }
0xd7: {  	[hbm4b:s3+s4] =	stream.indirect_vreg.scatter [tilespmem:s30], [sflag:$0x3], $0x80, v3, vm0, $0xb8;
	[tilespmem:$0x10300] =	vst v63  }
0xd8: {  	s31 =	simm.s32 $0x6900  }
0xd9: {  	[hbm4b:s6+s4] =	stream.indirect_vreg.scatter [tilespmem:s31], [sflag:$0x3], $0x80, v3, vm0, $0xb8;
	[tilespmem:$0x10300] =	vst v63  }
0xda: {  	_ = 	snop  }
0xdb: {  	[hbm4b:s7+s4] =	stream.indirect_vreg.scatter [tilespmem:s25], [sflag:$0x3], $0x80, v3, vm0, $0xb8;
	[tilespmem:$0x10300] =	vst v63  }
0xdc: {  	_ = 	snop  }
0xdd: {  	[hbm4b:s8+s4] =	stream.indirect_vreg.scatter [tilespmem:s26], [sflag:$0x3], $0x80, v3, vm0, $0xb8;
	[tilespmem:$0x10300] =	vst v63  }
0xde: {  	v3 =	vld [tilespmem:$0x102E0];
	_ =	sdelay $0x4  }
0xdf: {  	v60 =	vshll.u32 v3, $0x3  }
0xe0: {  	v61 =	vld [tilespmem:$0x102F0];
	v62 =	vand.u32 $0x7, v3;
	v4 =	vand.u32 $0xFFFFFFC0, v60  }
0xe1: {  	v4 =	vor.u32 v62, v4  }
0xe2: {  	v6 =	vperm.xlane v4, v0;
	_ =	sdelay $0x1  }
0xe3: {  	[tilespmem:$0x80] =	vst v3;
	v3 =	vadd.s32 v1, v6  }
0xe4: {  	[tilespmem:$0x90] =	vst v61  }
0xe5: {  	_ =	swait.ge [sflag:s29], $0x8000  }
0xe6: {  	[sflag:s29] =	ssyncset.done $0x0  }
0xe7: {  	s23 =	simm.s32 $0x8100;
	[sflag:s29] =	ssyncadd.s32 $0xFFFF8000  }
0xe8: {  	[hbm4b:s3+s4] =	stream.indirect_vreg.scatter [tilespmem:s23], [sflag:$0x4], $0x80, v3, vm0, $0xb8;
	[tilespmem:$0x10300] =	vst v63  }
0xe9: {  	v4 =	vperm.xlane v4, v2  }
0xea: {  	[hbm4b:s6+s4] =	stream.indirect_vreg.scatter [tilespmem:s28], [sflag:$0x4], $0x80, v3, vm0, $0xb8;
	[tilespmem:$0x10300] =	vst v63  }
0xeb: {  	v4 =	vadd.s32 v1, v4  }
0xec: {  	[hbm4b:s7+s4] =	stream.indirect_vreg.scatter [tilespmem:s10], [sflag:$0x4], $0x80, v3, vm0, $0xb8;
	[tilespmem:$0x10300] =	vst v63  }
0xed: {  	_ = 	snop  }
0xee: {  	[hbm4b:s8+s4] =	stream.indirect_vreg.scatter [tilespmem:s15], [sflag:$0x4], $0x80, v3, vm0, $0xb8;
	[tilespmem:$0x10300] =	vst v63  }
0xef: {  	_ = 	snop  }
0xf0: {  	[hbm4b:s3+s4] =	stream.indirect_vreg.scatter [tilespmem:s14], [sflag:$0x4], $0x80, v4, vm0, $0xb8;
	[tilespmem:$0x10300] =	vst v63  }
0xf1: {  	_ = 	snop  }
0xf2: {  	[hbm4b:s6+s4] =	stream.indirect_vreg.scatter [tilespmem:s2], [sflag:$0x4], $0x80, v4, vm0, $0xb8;
	[tilespmem:$0x10300] =	vst v63  }
0xf3: {  	_ = 	snop  }
0xf4: {  	[hbm4b:s7+s4] =	stream.indirect_vreg.scatter [tilespmem:s5], [sflag:$0x4], $0x80, v4, vm0, $0xb8;
	[tilespmem:$0x10300] =	vst v63  }
0xf5: {  	_ = 	snop  }
0xf6: {  	[hbm4b:s8+s4] =	stream.indirect_vreg.scatter [tilespmem:s11], [sflag:$0x4], $0x80, v4, vm0, $0xb8;
	[tilespmem:$0x10300] =	vst v63  }
0xf7: {  	v3 =	vld [tilespmem:$0x90];
	_ =	sdelay $0x4  }
0xf8: {  	v63 =	vshll.u32 v3, $0x3  }
0xf9: {  	v3 =	vand.u32 $0x7, v3;
	v4 =	vand.u32 $0xFFFFFFC0, v63  }
0xfa: {  	v3 =	vor.u32 v3, v4  }
0xfb: {  	v4 =	vperm.xlane v3, v0;
	_ =	sdelay $0x1  }
0xfc: {  	v4 =	vadd.s32 v1, v4;
	_ =	sdelay $0x4  }
0xfd: {  	[hbm4b:s3+s4] =	stream.indirect_vreg.scatter [tilespmem:s13], [sflag:$0x4], $0x80, v4, vm0, $0xb8;
	[tilespmem:$0x10300] =	vst v63  }
0xfe: {  	v3 =	vperm.xlane v3, v2  }
0xff: {  	[hbm4b:s6+s4] =	stream.indirect_vreg.scatter [tilespmem:s16], [sflag:$0x4], $0x80, v4, vm0, $0xb8;
	[tilespmem:$0x10300] =	vst v63  }
0x100: {  	v3 =	vadd.s32 v1, v3  }
0x101: {  	[hbm4b:s7+s4] =	stream.indirect_vreg.scatter [tilespmem:s17], [sflag:$0x4], $0x80, v4, vm0, $0xb8;
	[tilespmem:$0x10300] =	vst v63  }
0x102: {  	_ = 	snop  }
0x103: {  	[hbm4b:s8+s4] =	stream.indirect_vreg.scatter [tilespmem:s18], [sflag:$0x4], $0x80, v4, vm0, $0xb8;
	[tilespmem:$0x10300] =	vst v63  }
0x104: {  	_ = 	snop  }
0x105: {  	[hbm4b:s3+s4] =	stream.indirect_vreg.scatter [tilespmem:s19], [sflag:$0x4], $0x80, v3, vm0, $0xb8;
	[tilespmem:$0x10300] =	vst v63  }
0x106: {  	_ = 	snop  }
0x107: {  	[hbm4b:s6+s4] =	stream.indirect_vreg.scatter [tilespmem:s20], [sflag:$0x4], $0x80, v3, vm0, $0xb8;
	[tilespmem:$0x10300] =	vst v63  }
0x108: {  	_ = 	snop  }
0x109: {  	[hbm4b:s7+s4] =	stream.indirect_vreg.scatter [tilespmem:s21], [sflag:$0x4], $0x80, v3, vm0, $0xb8;
	[tilespmem:$0x10300] =	vst v63  }
0x10a: {  	_ = 	snop  }
0x10b: {  	[hbm4b:s8+s4] =	stream.indirect_vreg.scatter [tilespmem:s22], [sflag:$0x4], $0x80, v3, vm0, $0xb8;
	[tilespmem:$0x10300] =	vst v63  }
0x10c: {  	p0 =	sne.s32 s9, $0x1;
	_ =	swait.ge [sflag:s0], $0x8000  }
.Ltmp0:
0x10d: {  	[sflag:s0] =	ssyncset.done $0x0;
	(pc) =	sbr.rel @p0 .LBB2_1-.Ltmp0, $4  }
0x10e: {  	[sflag:s0] =	ssyncadd.s32 $0xFFFF8000  }
0x10f: {  	_ =	swait.ge [sflag:s12], $0x8000  }
0x110: {  	[sflag:s12] =	ssyncset.done $0x0  }
0x111: {  	s9 =	sadd.s32 $0xFFFFFFFF, s9;
	[sflag:s12] =	ssyncadd.s32 $0xFFFF8000  }
0x112: {  	_ =	sfence.sel $0x180000  }
0x113: {  	[bflag:$0x0] =	sbarrier.arrive $0xFFFF  }
0x114: {  	_ =	strace $0x90000047  }
0x115: {  	s0 =	stileid.u32;
	[bflag:$0x2] =	sbarrier.arrive $0xFFFF  }
0x116: {  	p0 =	sne.s32 s0, $0x0;
	s0 =	rddreg [dreg:$0x3]  }
0x117: {  	s0 =	sadd.s32 @!p0 $0x100000, s0  }
0x118: {  	[sflag:s0] =	ssyncadd.tile.s32 @!p0 $0x1;
	_ =	shalt  }
.Lfunc_end2:
_tile_overlayer_lowered:
.L_overlay_start_2:
0x119: {  	(tag) =	ssettag $0x2  }
0x11a: {  	s0 =	rddreg [dreg:$0x0];
	s2 =	stileid.u32  }
0x11b: {  	s1 =	rddreg [dreg:$0x1];
	p0 =	sne.s32 s2, $0x0  }
0x11c: {  	s3 =	rddreg [dreg:$0x2];
	[bflag:$0x3] =	sbarrier.arrive $0xFFFF;
	s2 =	simm.s32 @!p0 $0x1C05  }
0x11d: {  	[timem:s3], [sflag:s2] =	dma.local @!p0 [hbm:s0], s1  }
0x11e: {  	s0 =	simm.s32 @!p0 $0x5  }
0x11f: {  	_ =	swait.ge @!p0 [sflag:s0], s1  }
0x120: {  	s1 =	ssub.s32 @!p0 $0x0, s1;
	[sflag:s0] =	ssyncset.done @!p0 $0x0  }
0x121: {  	[sflag:s0] =	ssyncadd.s32 @!p0 s1  }
0x122: {  	[bflag:$0x3] =	sbarrier.arrive $0xFFFF  }
0x123: {  	_ =	shalt  }

// kernel: kernel.9.cloned.1.call-start
scs
__scs_entry_jumppad:
0x0: {  	(pc) =	sbr.rel $0x88, $3  }
0x1: {  	(tag) =	ssettag $0x0;
	lr =	simm.s32 $0x1  }
0x2: {  	[smem:$0x3F9C] =	sst lr;
	_ =	strace $0xD0000000  }
0x3: {  	_ = 	snop  }
0x4: {  	_ = 	snop  }
0x5: {  	_ = 	snop  }
0x6: {  	_ = 	snop  }
0x7: {  	_ = 	snop  }
__scs_overlays_trampoline_lowered:
0x8: {  	[smem:$0x3FAB] =	sst s0  }
0x9: {  	[smem:$0x3FAC] =	sst s1  }
0xa: {  	[smem:$0x3FAD] =	sst s2  }
0xb: {  	[smem:$0x3FAE] =	sst s3  }
0xc: {  	[smem:$0x3FAF] =	sst s4  }
0xd: {  	[smem:$0x3FB0] =	sst s5  }
0xe: {  	[smem:$0x3FB1] =	sst s6  }
0xf: {  	[smem:$0x3FB2] =	sst s7  }
0x10: {  	[smem:$0x3FB3] =	sst s8  }
0x11: {  	[smem:$0x3FB4] =	sst s9;
	s0 =	simm.s32 @!p0 $0x0  }
0x12: {  	s1 =	sld [smem:$0x3F9A];
	s0 =	simm.s32 @p0 $0x1  }
0x13: {  	[smem:$0x3FB5] =	sst s0;
	s0 =	simm.s32 @!p1 $0x0  }
0x14: {  	s2 =	sld [smem:$0x3F99];
	s0 =	simm.s32 @p1 $0x1  }
0x15: {  	[smem:$0x3FB6] =	sst s0;
	s0 =	simm.s32 @!p2 $0x0  }
0x16: {  	s3 =	sld [smem:$0x3FDB];
	s0 =	simm.s32 @p2 $0x1  }
0x17: {  	s4 =	simm.s32 $0x1BF5;
	[smem:$0x3FB8] =	sst s0  }
0x18: {  	s0 =	sld [smem:$0x3F9B];
	_ =	swait.ge [sflag:s4], $0x0  }
0x19: {  	s7 =	sld [smem:$0x3F9C]  }
0x1a: {  	s8 =	sadd.s32 $0xFFFFE003, lr  }
0x1b: {  	s9 =	sadd.s32 $0xFFFFFEF7, lr;
	s5 =	simm.s32 $0xFFFFFFFF;
	p2 =	slt.u32 s8, $0xFFFFF086  }
0x1c: {  	p1 =	slt.u32 s9, $0xF7A;
	s5 =	simm.s32 @!p2 $0x0  }
0x1d: {  	s5 =	simm.s32 @p1 $0x1;
	p0 =	seq.s32 s7, s2  }
0x1e: {  	s7 =	smul.u32 @!p0 $0xF7A, s2;
	p2 =	seq.s32 @!p0 s5, $0x0  }
0x1f: {  	s9 =	smul.u32 $0xF7A, s1;
	s8 =	simm.s32 @!p0 $0x1BF5;
	p2 =	por !p2, p0  }
0x20: {  	[sflag:s8] =	ssyncset.s32 @!p0 $0xFFFFF086;
	s6 =	sadd.s32 @!p0 s3, s7;
	s7 =	simm.s32 @!p0 $0x108  }
0x21: {  	s3 =	sadd.s32 s3, s9;
	s6 =	sadd.s32 @!p0 $0x88, s6;
	s7 =	simm.s32 @p2 $0x1082  }
0x22: {  	[simem:s7], [sflag:s8] =	dma.local @!p0 [hbm:s6], $0xF7A  }
0x23: {  	s9 =	sor.u32 $0xD0000000, s2;
	s6 =	simm.s32 $0x108;
	_ =	swait.ge @!p0 [sflag:s8], $0x0  }
0x24: {  	s3 =	sadd.s32 $0x88, s3;
	s6 =	simm.s32 @!p1 $0x1082;
	[sflag:s4] =	ssyncset.s32 $0xFFFFF086  }
0x25: {  	[simem:s6], [sflag:s4] =	dma.local [hbm:s3], $0xF7A  }
0x26: {  	[smem:$0x3F9C] =	sst s1;
	(tag) =	ssettag s2;
	_ =	strace s9  }
0x27: {  	s1 =	sld [smem:$0x3FAC]  }
0x28: {  	s2 =	sld [smem:$0x3FAD]  }
0x29: {  	s4 =	sld [smem:$0x3FAF]  }
0x2a: {  	p0 =	seq.s32 s5, $0x0;
	s5 =	sld [smem:$0x3FB0]  }
0x2b: {  	s6 =	sld [smem:$0x3FB1]  }
0x2c: {  	s7 =	sld [smem:$0x3FB2]  }
0x2d: {  	s3 =	simm.s32 $0x108;
	s8 =	sld [smem:$0x3FB3]  }
0x2e: {  	s3 =	simm.s32 @!p0 $0x1082;
	s9 =	sld [smem:$0x3FB4]  }
0x2f: {  	lr =	sadd.s32 s0, s3;
	s0 =	sld [smem:$0x3FAB]  }
0x30: {  	s3 =	sld [smem:$0x3FAE]  }
0x31: {  	[smem:$0x3FB7] =	sst s10  }
0x32: {  	s10 =	sld [smem:$0x3FB5];
	_ =	sdelay $0x3  }
0x33: {  	p0 =	seq.s32 s10, $0x1;
	s10 =	sld [smem:$0x3FB7];
	_ =	sdelay $0x3  }
0x34: {  	[smem:$0x3FB7] =	sst s10  }
0x35: {  	s10 =	sld [smem:$0x3FB6];
	_ =	sdelay $0x3  }
0x36: {  	p1 =	seq.s32 s10, $0x1;
	s10 =	sld [smem:$0x3FB7];
	_ =	sdelay $0x3  }
0x37: {  	[smem:$0x3FB7] =	sst s10  }
0x38: {  	s10 =	sld [smem:$0x3FB8]  }
0x39: {  	_ = 	snop;
	(pc) =	sbr.ind lr, $3  }
0x3a: {  	_ = 	snop  }
0x3b: {  	_ = 	snop  }
0x3c: {  	p2 =	seq.s32 s10, $0x1;
	s10 =	sld [smem:$0x3FB7]  }
0x3d: {  	_ =	shalt  }
0x3e: {  	_ =	shalt  }
0x3f: {  	_ =	shalt  }
0x40: {  	_ =	shalt  }
0x41: {  	_ =	shalt  }
0x42: {  	_ =	shalt  }
0x43: {  	_ =	shalt  }
0x44: {  	_ =	shalt  }
0x45: {  	_ =	shalt  }
0x46: {  	_ =	shalt  }
0x47: {  	_ =	shalt  }
0x48: {  	_ =	shalt  }
0x49: {  	_ =	shalt  }
0x4a: {  	_ =	shalt  }
0x4b: {  	_ =	shalt  }
0x4c: {  	_ =	shalt  }
0x4d: {  	_ =	shalt  }
0x4e: {  	_ =	shalt  }
0x4f: {  	_ =	shalt  }
0x50: {  	_ =	shalt  }
0x51: {  	_ =	shalt  }
0x52: {  	_ =	shalt  }
0x53: {  	_ =	shalt  }
0x54: {  	_ =	shalt  }
0x55: {  	_ =	shalt  }
0x56: {  	_ =	shalt  }
0x57: {  	_ =	shalt  }
0x58: {  	_ =	shalt  }
0x59: {  	_ =	shalt  }
0x5a: {  	_ =	shalt  }
0x5b: {  	_ =	shalt  }
0x5c: {  	_ =	shalt  }
0x5d: {  	_ =	shalt  }
0x5e: {  	_ =	shalt  }
0x5f: {  	_ =	shalt  }
0x60: {  	_ =	shalt  }
0x61: {  	_ =	shalt  }
0x62: {  	_ =	shalt  }
0x63: {  	_ =	shalt  }
0x64: {  	_ =	shalt  }
0x65: {  	_ =	shalt  }
0x66: {  	_ =	shalt  }
0x67: {  	_ =	shalt  }
0x68: {  	_ =	shalt  }
0x69: {  	_ =	shalt  }
0x6a: {  	_ =	shalt  }
0x6b: {  	_ =	shalt  }
0x6c: {  	_ =	shalt  }
0x6d: {  	_ =	shalt  }
0x6e: {  	_ =	shalt  }
0x6f: {  	_ =	shalt  }
0x70: {  	_ =	shalt  }
0x71: {  	_ =	shalt  }
0x72: {  	_ =	shalt  }
0x73: {  	_ =	shalt  }
0x74: {  	_ =	shalt  }
0x75: {  	_ =	shalt  }
0x76: {  	_ =	shalt  }
0x77: {  	_ =	shalt  }
0x78: {  	_ =	shalt  }
0x79: {  	_ =	shalt  }
0x7a: {  	_ =	shalt  }
0x7b: {  	_ =	shalt  }
0x7c: {  	_ =	shalt  }
0x7d: {  	_ =	shalt  }
0x7e: {  	_ =	shalt  }
0x7f: {  	_ =	shalt  }
0x80: {  	_ =	shalt  }
0x81: {  	_ =	shalt  }
0x82: {  	_ =	shalt  }
0x83: {  	_ =	shalt  }
0x84: {  	_ =	shalt  }
0x85: {  	_ =	shalt  }
0x86: {  	_ =	shalt  }
0x87: {  	_ =	shalt  }
.Lfunc_end0:
.L_simem_size_0:
called_computation.1_lowered:
.L_overlay_start_0:
0x88: {  	s2 =	sld [smem:$0x3FD9]  }
0x89: {  	s3 =	sld [smem:$0x3FFE];
	_ =	sdelay $0x1  }
0x8a: {  	s1 =	srdreg.scid  }
0x8b: {  	s0 =	sand.u32 $0x1, s1  }
0x8c: {  	s17 =	sshll.u32 s0, $0xA;
	s2 =	sadd.s32 s3, s2  }
0x8d: {  	s2 =	sadd.s32 s2, s17  }
0x8e: {  	[smem:$0x3FC3] =	sst s2  }
0x8f: {  	_ = 	snop  }
0x90: {  	s2 =	sld [smem:$0x3FD0];
	(tm) =	ssettm $0x1  }
0x91: {  	s18 =	sld [smem:$0x3FFB];
	_ =	sdelay $0x3  }
0x92: {  	_ =	strace s18  }
0x93: {  	s3 =	sld [smem:$0x3FFC];
	_ =	sdelay $0x3  }
0x94: {  	_ =	strace s3  }
0x95: {  	s3 =	sld [smem:$0x3FFD];
	_ =	sdelay $0x3  }
0x96: {  	_ =	strace s3  }
0x97: {  	_ =	strace $0x8FFFFFFF  }
0x98: {  	s19 =	sld [smem:$0x3FDB];
	_ =	sdelay $0x1  }
0x99: {  	s4 =	simm.s32 $_scs_section_size  }
0x9a: {  	s5 =	simm.s32 $_size__tile_overlayer_lowered;
	s6 =	simm.s32 $_tile_overlayer_lowered  }
0x9b: {  	s22 =	simm.s32 $0x1BFF;
	s21 =	sshll.u32 s6, $0x1;
	s3 =	sadd.s32 s4, s19  }
0x9c: {  	s7 =	simm.s32 $0x0;
	s20 =	sshll.u32 s5, $0x1;
	s5 =	sadd.s32 s21, s3  }
0x9d: {  	[timem:s7], [sflag:s22] =	dma.local [hbm:s5], s20  }
0x9e: {  	_ =	swait.ge [sflag:s22], s20  }
0x9f: {  	s4 =	ssub.s32 $0x0, s20;
	[sflag:s22] =	ssyncset.done $0x0  }
0xa0: {  	[sflag:s22] =	ssyncadd.s32 s4;
	_ =	sdelay $0x1  }
0xa1: {  	s23 =	simm.s32 $0x1B8B  }
0xa2: {  	_ =	swait.ge [sflag:s23], $0x1  }
0xa3: {  	[sflag:s23] =	ssyncset.done $0x0  }
0xa4: {  	s25 =	simm.s32 $0x1B8E;
	s24 =	sld [smem:$0x3FFE];
	[sflag:s23] =	ssyncadd.s32 $0xFFFFFFFF  }
0xa5: {  	s26 =	simm.s32 $execute0_lowered;
	[smem:$0x3FD2] =	sst s25  }
0xa6: {  	s5 =	sshll.u32 s26, $0x1;
	_ =	strace $0x80000049;
	[dreg:$0x1] =	wrdreg $0xFFFFFFFF  }
0xa7: {  	s28 =	simm.s32 $_size_execute0_lowered;
	s3 =	sadd.s32 s3, s5;
	[dreg:$0x0] =	wrdreg $0x0  }
0xa8: {  	s5 =	sshll.u32 s28, $0x1;
	[dreg:$0x2] =	wrdreg s3  }
0xa9: {  	[dreg:$0x3] =	wrdreg s5  }
0xaa: {  	[dreg:$0x4] =	wrdreg $0xC0  }
0xab: {  	_ =	task [dreg:s7], $0x5FFFF  }
0xac: {  	[dreg:$0x1] =	wrdreg $0xFFFFFFFF  }
0xad: {  	[dreg:$0x0] =	wrdreg $0x60  }
0xae: {  	[dreg:$0x2] =	wrdreg s24  }
0xaf: {  	[dreg:$0x3] =	wrdreg s2  }
0xb0: {  	[dreg:$0x4] =	wrdreg $0x9  }
0xb1: {  	_ =	task.clear_ibuf [dreg:s7], $0x5FFFF;
	_ =	strace $0x90000049  }
0xb2: {  	s29 =	simm.s32 $0x9;
	_ =	strace $0x8000004B  }
0xb3: {  	_ =	swait.ge [sflag:s29], $0x1  }
0xb4: {  	[sflag:s29] =	ssyncadd.s32 $0xFFFFFFFF  }
0xb5: {  	_ =	strace $0x9000004B  }
0xb6: {  	_ =	sfence  }
0xb7: {  	s30 =	sld [smem:$0x0];
	_ =	sdelay $0x2  }
0xb8: {  	s31 =	sshll.u32 s1, $0xD;
	s1 =	sshrl.u32 s1, $0x2  }
0xb9: {  	s3 =	sand.u32 $0x4000, s31;
	s1 =	sadd.s32 s1, s30  }
0xba: {  	s0 =	sor.u32 s3, s0;
	s1 =	sshll.u32 s1, $0x11  }
0xbb: {  	s0 =	sor.u32 s1, s0  }
0xbc: {  	s0 =	sadd.s32 $0x8F2B, s0  }
0xbd: {  	[sflag:s0] =	ssyncadd.remote.s32 $0x1  }
0xbe: {  	_ =	sfence.sel $0xFFFF  }
0xbf: {  	[dreg:$0x0] =	wrdreg $0xFFFFFFFF;
	(pc) =	sbr.abs _section_cstart, $3  }
0xc0: {  	[dreg:$0x1] =	wrdreg $0xFFFFFFFF  }
0xc1: {  	_ =	task.clear_ibuf [dreg:s7], $0x2FFFF;
	_ =	strace $0x9FFFFFFF  }
0xc2: {  	(tm) =	ssettm $0x7FFFFFFF  }
0xc3: {  	_ =	shalt  }
tec
execute0_lowered:
.L_overlay_start_1:
0x0: {  	(tag) =	ssettag $0x1  }
0x1: {  	s0 =	rddreg [dreg:$0x0]  }
0x2: {  	s1 =	rddreg [dreg:$0x1];
	s3 =	srdreg.scid  }
0x3: {  	s2 =	simm.s32 $0x0;
	s5 =	stileid.u32;
	s9 =	simm.s32 $0x1  }
0x4: {  	s21 =	simm.s32 $0x3;
	s22 =	simm.s32 $0x4;
	s28 =	simm.s32 $0x1880  }
0x5: {  	s29 =	simm.s32 $0x2080;
	s30 =	simm.s32 $0x2880;
	s31 =	simm.s32 $0x3080  }
0x6: {  	s11 =	simm.s32 $0x4880;
	s12 =	simm.s32 $0x5080;
	s13 =	simm.s32 $0x5880  }
0x7: {  	s14 =	simm.s32 $0x6080;
	s15 =	simm.s32 $0x6880;
	s16 =	simm.s32 $0x7080  }
0x8: {  	s17 =	simm.s32 $0x7880;
	s20 =	simm.s32 $0x8080;
	s18 =	simm.s32 $0x8880  }
0x9: {  	s19 =	simm.s32 $0x9080;
	s4 =	sand.u32 $0x1, s3;
	[smem:$0x7FF] =	sst s2  }
0xa: {  	s23 =	sshll.u32 s5, $0x8;
	s3 =	sadd.s32 $0x800, s0;
	s24 =	sshll.u32 s4, $0x7  }
0xb: {  	_ =	strace $0x8000004A;
	s4 =	ssub.s32 $0x2, s4;
	s5 =	sor.u32 s24, s23  }
0xc: {  	s7 =	sshrl.u32 s4, $0x1;
	s6 =	sshrl.u32 s5, $0x3;
	s5 =	sshll.u32 s5, $0x7  }
0xd: {  	s24 =	simm.s32 $0x880;
	s6 =	sadd.s32 s6, s0;
	s8 =	sadd.s32 s1, s5  }
0xe: {  	s4 =	ssub.s32 s4, s7;
	s6 =	sadd.s32 $0x600, s6;
	[dreg:$0x7] =	wrdreg s8  }
0xf: {  	s7 =	sadd.s32 $0xB00, s0;
	s1 =	sadd.s32 $0x1000, s8;
	[dreg:$0x3] =	wrdreg s6  }
0x10: {  	s5 =	sadd.s32 $0x900, s0;
	s25 =	sadd.s32 $0x2000, s8;
	[dreg:$0x4] =	wrdreg s1  }
0x11: {  	v2 =	vlaneseq.u32;
	s26 =	sadd.s32 $0x3000, s8;
	s8 =	smax.u32 s4, $0x1;
	[dreg:$0x5] =	wrdreg s25  }
0x12: {  	vm0 =	vmmov $0xffff;
	v1 =	vshrl.u32 v2, $0x3;
	s4 =	simm.s32 $0x2;
	s6 =	sadd.s32 $0xA00, s0;
	[dreg:$0x6] =	wrdreg s26  }
0x13: {  	v0 =	vand.u32 $0x7, v2;
	v2 =	vor.u32 $0x8, v2;
	v1 =	vmul.u32 $0x8, v1;
	s26 =	simm.s32 $0x80;
	s25 =	simm.s32 $0x1080;
	s1 =	simm.s32 $0x4080  }
.LBB2_1:
0x14: {  	s23 =	rddreg [dreg:$0x3];
	s0 =	simm.s32 $0x5  }
0x15: {  	[tilespmem:s2], [sflag:$0x5] =	stream.linear.gather [hbm4b:s23+s2], $0x80, $0x38;
	[tilespmem:$0x10080] =	vst v63  }
0x16: {  	_ =	swait.ge [sflag:s0], $0x80  }
0x17: {  	[sflag:s0] =	ssyncset.done $0x0  }
0x18: {  	[sflag:s0] =	ssyncadd.s32 $0xFFFFFF80  }
0x19: {  	v3 =	vld [tilespmem:$0x0];
	_ =	sdelay $0x4  }
0x1a: {  	v4 =	vshll.u32 v3, $0x3  }
0x1b: {  	v3 =	vand.u32 $0x7, v3;
	v4 =	vand.u32 $0xFFFFFFC0, v4  }
0x1c: {  	v3 =	vor.u32 v3, v4  }
0x1d: {  	v4 =	vperm.xlane v3, v0;
	_ =	sdelay $0x1  }
0x1e: {  	v4 =	vadd.s32 v1, v4;
	_ =	sdelay $0x4  }
0x1f: {  	[tilespmem:s26], [sflag:$0x1] =	stream.indirect_vreg.gather [hbm4b:s3+s2], $0x80, v4, vm0, $0xb8;
	[tilespmem:$0x10080] =	vst v63  }
0x20: {  	v3 =	vperm.xlane v3, v2  }
0x21: {  	[tilespmem:s24], [sflag:$0x1] =	stream.indirect_vreg.gather [hbm4b:s5+s2], $0x80, v4, vm0, $0xb8;
	[tilespmem:$0x10080] =	vst v63  }
0x22: {  	v3 =	vadd.s32 v1, v3  }
0x23: {  	[tilespmem:s25], [sflag:$0x1] =	stream.indirect_vreg.gather [hbm4b:s6+s2], $0x80, v4, vm0, $0xb8;
	[tilespmem:$0x10080] =	vst v63  }
0x24: {  	_ = 	snop  }
0x25: {  	[tilespmem:s28], [sflag:$0x1] =	stream.indirect_vreg.gather [hbm4b:s7+s2], $0x80, v4, vm0, $0xb8;
	[tilespmem:$0x10080] =	vst v63  }
0x26: {  	_ = 	snop  }
0x27: {  	[tilespmem:s29], [sflag:$0x1] =	stream.indirect_vreg.gather [hbm4b:s3+s2], $0x80, v3, vm0, $0xb8;
	[tilespmem:$0x10080] =	vst v63  }
0x28: {  	_ = 	snop  }
0x29: {  	[tilespmem:s30], [sflag:$0x1] =	stream.indirect_vreg.gather [hbm4b:s5+s2], $0x80, v3, vm0, $0xb8;
	[tilespmem:$0x10080] =	vst v63  }
0x2a: {  	_ = 	snop  }
0x2b: {  	[tilespmem:s31], [sflag:$0x1] =	stream.indirect_vreg.gather [hbm4b:s6+s2], $0x80, v3, vm0, $0xb8;
	[tilespmem:$0x10080] =	vst v63  }
0x2c: {  	s0 =	simm.s32 $0x3880  }
0x2d: {  	[tilespmem:s0], [sflag:$0x1] =	stream.indirect_vreg.gather [hbm4b:s7+s2], $0x80, v3, vm0, $0xb8;
	[tilespmem:$0x10080] =	vst v63  }
0x2e: {  	v3 =	vld [tilespmem:$0x10];
	_ =	sdelay $0x4  }
0x2f: {  	v57 =	vshll.u32 v3, $0x3  }
0x30: {  	v3 =	vand.u32 $0x7, v3;
	v4 =	vand.u32 $0xFFFFFFC0, v57  }
0x31: {  	v3 =	vor.u32 v3, v4  }
0x32: {  	v4 =	vperm.xlane v3, v0;
	_ =	sdelay $0x1  }
0x33: {  	v4 =	vadd.s32 v1, v4;
	_ =	sdelay $0x4  }
0x34: {  	[tilespmem:s1], [sflag:$0x1] =	stream.indirect_vreg.gather [hbm4b:s3+s2], $0x80, v4, vm0, $0xb8;
	[tilespmem:$0x10080] =	vst v63  }
0x35: {  	v3 =	vperm.xlane v3, v2  }
0x36: {  	[tilespmem:s11], [sflag:$0x1] =	stream.indirect_vreg.gather [hbm4b:s5+s2], $0x80, v4, vm0, $0xb8;
	[tilespmem:$0x10080] =	vst v63  }
0x37: {  	v3 =	vadd.s32 v1, v3  }
0x38: {  	[tilespmem:s12], [sflag:$0x1] =	stream.indirect_vreg.gather [hbm4b:s6+s2], $0x80, v4, vm0, $0xb8;
	[tilespmem:$0x10080] =	vst v63  }
0x39: {  	_ = 	snop  }
0x3a: {  	[tilespmem:s13], [sflag:$0x1] =	stream.indirect_vreg.gather [hbm4b:s7+s2], $0x80, v4, vm0, $0xb8;
	[tilespmem:$0x10080] =	vst v63  }
0x3b: {  	_ = 	snop  }
0x3c: {  	[tilespmem:s14], [sflag:$0x1] =	stream.indirect_vreg.gather [hbm4b:s3+s2], $0x80, v3, vm0, $0xb8;
	[tilespmem:$0x10080] =	vst v63  }
0x3d: {  	_ = 	snop  }
0x3e: {  	[tilespmem:s15], [sflag:$0x1] =	stream.indirect_vreg.gather [hbm4b:s5+s2], $0x80, v3, vm0, $0xb8;
	[tilespmem:$0x10080] =	vst v63  }
0x3f: {  	_ = 	snop  }
0x40: {  	[tilespmem:s16], [sflag:$0x1] =	stream.indirect_vreg.gather [hbm4b:s6+s2], $0x80, v3, vm0, $0xb8;
	[tilespmem:$0x10080] =	vst v63  }
0x41: {  	_ = 	snop  }
0x42: {  	[tilespmem:s17], [sflag:$0x1] =	stream.indirect_vreg.gather [hbm4b:s7+s2], $0x80, v3, vm0, $0xb8;
	[tilespmem:$0x10080] =	vst v63  }
0x43: {  	v3 =	vld [tilespmem:$0x20];
	_ =	sdelay $0x4  }
0x44: {  	v58 =	vshll.u32 v3, $0x3  }
0x45: {  	v3 =	vand.u32 $0x7, v3;
	v4 =	vand.u32 $0xFFFFFFC0, v58  }
0x46: {  	v3 =	vor.u32 v3, v4  }
0x47: {  	v4 =	vperm.xlane v3, v0;
	_ =	sdelay $0x1  }
0x48: {  	v4 =	vadd.s32 v1, v4;
	_ =	sdelay $0x4  }
0x49: {  	[tilespmem:s20], [sflag:$0x2] =	stream.indirect_vreg.gather [hbm4b:s3+s2], $0x80, v4, vm0, $0xb8;
	[tilespmem:$0x10080] =	vst v63  }
0x4a: {  	v3 =	vperm.xlane v3, v2  }
0x4b: {  	[tilespmem:s18], [sflag:$0x2] =	stream.indirect_vreg.gather [hbm4b:s5+s2], $0x80, v4, vm0, $0xb8;
	[tilespmem:$0x10080] =	vst v63  }
0x4c: {  	v3 =	vadd.s32 v1, v3  }
0x4d: {  	[tilespmem:s19], [sflag:$0x2] =	stream.indirect_vreg.gather [hbm4b:s6+s2], $0x80, v4, vm0, $0xb8;
	[tilespmem:$0x10080] =	vst v63  }
0x4e: {  	s10 =	simm.s32 $0x9880  }
0x4f: {  	[tilespmem:s10], [sflag:$0x2] =	stream.indirect_vreg.gather [hbm4b:s7+s2], $0x80, v4, vm0, $0xb8;
	[tilespmem:$0x10080] =	vst v63  }
0x50: {  	s10 =	simm.s32 $0xA080  }
0x51: {  	[tilespmem:s10], [sflag:$0x2] =	stream.indirect_vreg.gather [hbm4b:s3+s2], $0x80, v3, vm0, $0xb8;
	[tilespmem:$0x10080] =	vst v63  }
0x52: {  	s23 =	simm.s32 $0xA880  }
0x53: {  	[tilespmem:s23], [sflag:$0x2] =	stream.indirect_vreg.gather [hbm4b:s5+s2], $0x80, v3, vm0, $0xb8;
	[tilespmem:$0x10080] =	vst v63  }
0x54: {  	s23 =	simm.s32 $0xB080  }
0x55: {  	[tilespmem:s23], [sflag:$0x2] =	stream.indirect_vreg.gather [hbm4b:s6+s2], $0x80, v3, vm0, $0xb8;
	[tilespmem:$0x10080] =	vst v63  }
0x56: {  	s23 =	simm.s32 $0xB880  }
0x57: {  	[tilespmem:s23], [sflag:$0x2] =	stream.indirect_vreg.gather [hbm4b:s7+s2], $0x80, v3, vm0, $0xb8;
	[tilespmem:$0x10080] =	vst v63  }
0x58: {  	v3 =	vld [tilespmem:$0x30];
	_ =	sdelay $0x4  }
0x59: {  	v59 =	vshll.u32 v3, $0x3  }
0x5a: {  	v3 =	vand.u32 $0x7, v3;
	v4 =	vand.u32 $0xFFFFFFC0, v59  }
0x5b: {  	v3 =	vor.u32 v3, v4  }
0x5c: {  	v4 =	vperm.xlane v3, v0;
	_ =	sdelay $0x1  }
0x5d: {  	v4 =	vadd.s32 v1, v4;
	_ =	sdelay $0x3  }
0x5e: {  	s23 =	simm.s32 $0xC080  }
0x5f: {  	[tilespmem:s23], [sflag:$0x2] =	stream.indirect_vreg.gather [hbm4b:s3+s2], $0x80, v4, vm0, $0xb8;
	[tilespmem:$0x10080] =	vst v63  }
0x60: {  	v3 =	vperm.xlane v3, v2;
	s23 =	simm.s32 $0xC880  }
0x61: {  	[tilespmem:s23], [sflag:$0x2] =	stream.indirect_vreg.gather [hbm4b:s5+s2], $0x80, v4, vm0, $0xb8;
	[tilespmem:$0x10080] =	vst v63  }
0x62: {  	v3 =	vadd.s32 v1, v3;
	s23 =	simm.s32 $0xD080  }
0x63: {  	[tilespmem:s23], [sflag:$0x2] =	stream.indirect_vreg.gather [hbm4b:s6+s2], $0x80, v4, vm0, $0xb8;
	[tilespmem:$0x10080] =	vst v63  }
0x64: {  	s23 =	simm.s32 $0xD880  }
0x65: {  	[tilespmem:s23], [sflag:$0x2] =	stream.indirect_vreg.gather [hbm4b:s7+s2], $0x80, v4, vm0, $0xb8;
	[tilespmem:$0x10080] =	vst v63  }
0x66: {  	s23 =	simm.s32 $0xE080  }
0x67: {  	[tilespmem:s23], [sflag:$0x2] =	stream.indirect_vreg.gather [hbm4b:s3+s2], $0x80, v3, vm0, $0xb8;
	[tilespmem:$0x10080] =	vst v63  }
0x68: {  	s23 =	simm.s32 $0xE880  }
0x69: {  	[tilespmem:s23], [sflag:$0x2] =	stream.indirect_vreg.gather [hbm4b:s5+s2], $0x80, v3, vm0, $0xb8;
	[tilespmem:$0x10080] =	vst v63  }
0x6a: {  	s23 =	simm.s32 $0xF080  }
0x6b: {  	[tilespmem:s23], [sflag:$0x2] =	stream.indirect_vreg.gather [hbm4b:s6+s2], $0x80, v3, vm0, $0xb8;
	[tilespmem:$0x10080] =	vst v63  }
0x6c: {  	s23 =	simm.s32 $0xF880  }
0x6d: {  	[tilespmem:s23], [sflag:$0x2] =	stream.indirect_vreg.gather [hbm4b:s7+s2], $0x80, v3, vm0, $0xb8;
	[tilespmem:$0x10080] =	vst v63  }
0x6e: {  	_ =	swait.ge [sflag:s9], $0x8000  }
0x6f: {  	[sflag:s9] =	ssyncset.done $0x0  }
0x70: {  	s23 =	rddreg [dreg:$0x7];
	[sflag:s9] =	ssyncadd.s32 $0xFFFF8000  }
0x71: {  	[hbm4b:s23+s2] =	stream.linear.scatter [tilespmem:s26], [sflag:$0x3], $0x8000, $0x38;
	[tilespmem:$0x10080] =	vst v63  }
0x72: {  	_ =	swait.ge [sflag:s21], $0x8000  }
0x73: {  	[sflag:s21] =	ssyncset.done $0x0  }
0x74: {  	[sflag:s21] =	ssyncadd.s32 $0xFFFF8000  }
0x75: {  	v3 =	vld [tilespmem:$0x40];
	_ =	sdelay $0x4  }
0x76: {  	v60 =	vshll.u32 v3, $0x3  }
0x77: {  	v3 =	vand.u32 $0x7, v3;
	v4 =	vand.u32 $0xFFFFFFC0, v60  }
0x78: {  	v3 =	vor.u32 v3, v4  }
0x79: {  	v4 =	vperm.xlane v3, v0;
	_ =	sdelay $0x1  }
0x7a: {  	v4 =	vadd.s32 v1, v4;
	_ =	sdelay $0x4  }
0x7b: {  	[tilespmem:s26], [sflag:$0x1] =	stream.indirect_vreg.gather [hbm4b:s3+s2], $0x80, v4, vm0, $0xb8;
	[tilespmem:$0x10080] =	vst v63  }
0x7c: {  	v3 =	vperm.xlane v3, v2  }
0x7d: {  	[tilespmem:s24], [sflag:$0x1] =	stream.indirect_vreg.gather [hbm4b:s5+s2], $0x80, v4, vm0, $0xb8;
	[tilespmem:$0x10080] =	vst v63  }
0x7e: {  	v3 =	vadd.s32 v1, v3  }
0x7f: {  	[tilespmem:s25], [sflag:$0x1] =	stream.indirect_vreg.gather [hbm4b:s6+s2], $0x80, v4, vm0, $0xb8;
	[tilespmem:$0x10080] =	vst v63  }
0x80: {  	_ = 	snop  }
0x81: {  	[tilespmem:s28], [sflag:$0x1] =	stream.indirect_vreg.gather [hbm4b:s7+s2], $0x80, v4, vm0, $0xb8;
	[tilespmem:$0x10080] =	vst v63  }
0x82: {  	_ = 	snop  }
0x83: {  	[tilespmem:s29], [sflag:$0x1] =	stream.indirect_vreg.gather [hbm4b:s3+s2], $0x80, v3, vm0, $0xb8;
	[tilespmem:$0x10080] =	vst v63  }
0x84: {  	_ = 	snop  }
0x85: {  	[tilespmem:s30], [sflag:$0x1] =	stream.indirect_vreg.gather [hbm4b:s5+s2], $0x80, v3, vm0, $0xb8;
	[tilespmem:$0x10080] =	vst v63  }
0x86: {  	_ = 	snop  }
0x87: {  	[tilespmem:s31], [sflag:$0x1] =	stream.indirect_vreg.gather [hbm4b:s6+s2], $0x80, v3, vm0, $0xb8;
	[tilespmem:$0x10080] =	vst v63  }
0x88: {  	_ = 	snop  }
0x89: {  	[tilespmem:s0], [sflag:$0x1] =	stream.indirect_vreg.gather [hbm4b:s7+s2], $0x80, v3, vm0, $0xb8;
	[tilespmem:$0x10080] =	vst v63  }
0x8a: {  	v3 =	vld [tilespmem:$0x50];
	_ =	sdelay $0x4  }
0x8b: {  	v61 =	vshll.u32 v3, $0x3  }
0x8c: {  	v3 =	vand.u32 $0x7, v3;
	v4 =	vand.u32 $0xFFFFFFC0, v61  }
0x8d: {  	v3 =	vor.u32 v3, v4  }
0x8e: {  	v4 =	vperm.xlane v3, v0;
	_ =	sdelay $0x1  }
0x8f: {  	v4 =	vadd.s32 v1, v4;
	_ =	sdelay $0x4  }
0x90: {  	[tilespmem:s1], [sflag:$0x1] =	stream.indirect_vreg.gather [hbm4b:s3+s2], $0x80, v4, vm0, $0xb8;
	[tilespmem:$0x10080] =	vst v63  }
0x91: {  	v3 =	vperm.xlane v3, v2  }
0x92: {  	[tilespmem:s11], [sflag:$0x1] =	stream.indirect_vreg.gather [hbm4b:s5+s2], $0x80, v4, vm0, $0xb8;
	[tilespmem:$0x10080] =	vst v63  }
0x93: {  	v3 =	vadd.s32 v1, v3  }
0x94: {  	[tilespmem:s12], [sflag:$0x1] =	stream.indirect_vreg.gather [hbm4b:s6+s2], $0x80, v4, vm0, $0xb8;
	[tilespmem:$0x10080] =	vst v63  }
0x95: {  	_ = 	snop  }
0x96: {  	[tilespmem:s13], [sflag:$0x1] =	stream.indirect_vreg.gather [hbm4b:s7+s2], $0x80, v4, vm0, $0xb8;
	[tilespmem:$0x10080] =	vst v63  }
0x97: {  	_ = 	snop  }
0x98: {  	[tilespmem:s14], [sflag:$0x1] =	stream.indirect_vreg.gather [hbm4b:s3+s2], $0x80, v3, vm0, $0xb8;
	[tilespmem:$0x10080] =	vst v63  }
0x99: {  	_ = 	snop  }
0x9a: {  	[tilespmem:s15], [sflag:$0x1] =	stream.indirect_vreg.gather [hbm4b:s5+s2], $0x80, v3, vm0, $0xb8;
	[tilespmem:$0x10080] =	vst v63  }
0x9b: {  	_ = 	snop  }
0x9c: {  	[tilespmem:s16], [sflag:$0x1] =	stream.indirect_vreg.gather [hbm4b:s6+s2], $0x80, v3, vm0, $0xb8;
	[tilespmem:$0x10080] =	vst v63  }
0x9d: {  	_ = 	snop  }
0x9e: {  	[tilespmem:s17], [sflag:$0x1] =	stream.indirect_vreg.gather [hbm4b:s7+s2], $0x80, v3, vm0, $0xb8;
	[tilespmem:$0x10080] =	vst v63  }
0x9f: {  	_ =	swait.ge [sflag:s4], $0x8000  }
0xa0: {  	[sflag:s4] =	ssyncset.done $0x0  }
0xa1: {  	s0 =	rddreg [dreg:$0x4];
	[sflag:s4] =	ssyncadd.s32 $0xFFFF8000  }
0xa2: {  	[hbm4b:s0+s2] =	stream.linear.scatter [tilespmem:s20], [sflag:$0x4], $0x8000, $0x38;
	[tilespmem:$0x10080] =	vst v63  }
0xa3: {  	_ =	swait.ge [sflag:s22], $0x8000  }
0xa4: {  	[sflag:s22] =	ssyncset.done $0x0  }
0xa5: {  	[sflag:s22] =	ssyncadd.s32 $0xFFFF8000  }
0xa6: {  	v3 =	vld [tilespmem:$0x60];
	_ =	sdelay $0x4  }
0xa7: {  	v62 =	vshll.u32 v3, $0x3  }
0xa8: {  	v3 =	vand.u32 $0x7, v3;
	v4 =	vand.u32 $0xFFFFFFC0, v62  }
0xa9: {  	v3 =	vor.u32 v3, v4  }
0xaa: {  	v4 =	vperm.xlane v3, v0;
	_ =	sdelay $0x1  }
0xab: {  	v4 =	vadd.s32 v1, v4;
	_ =	sdelay $0x4  }
0xac: {  	[tilespmem:s20], [sflag:$0x2] =	stream.indirect_vreg.gather [hbm4b:s3+s2], $0x80, v4, vm0, $0xb8;
	[tilespmem:$0x10080] =	vst v63  }
0xad: {  	v3 =	vperm.xlane v3, v2  }
0xae: {  	[tilespmem:s18], [sflag:$0x2] =	stream.indirect_vreg.gather [hbm4b:s5+s2], $0x80, v4, vm0, $0xb8;
	[tilespmem:$0x10080] =	vst v63  }
0xaf: {  	v3 =	vadd.s32 v1, v3  }
0xb0: {  	[tilespmem:s19], [sflag:$0x2] =	stream.indirect_vreg.gather [hbm4b:s6+s2], $0x80, v4, vm0, $0xb8;
	[tilespmem:$0x10080] =	vst v63  }
0xb1: {  	s23 =	simm.s32 $0x9880  }
0xb2: {  	[tilespmem:s23], [sflag:$0x2] =	stream.indirect_vreg.gather [hbm4b:s7+s2], $0x80, v4, vm0, $0xb8;
	[tilespmem:$0x10080] =	vst v63  }
0xb3: {  	_ = 	snop  }
0xb4: {  	[tilespmem:s10], [sflag:$0x2] =	stream.indirect_vreg.gather [hbm4b:s3+s2], $0x80, v3, vm0, $0xb8;
	[tilespmem:$0x10080] =	vst v63  }
0xb5: {  	s23 =	simm.s32 $0xA880  }
0xb6: {  	[tilespmem:s23], [sflag:$0x2] =	stream.indirect_vreg.gather [hbm4b:s5+s2], $0x80, v3, vm0, $0xb8;
	[tilespmem:$0x10080] =	vst v63  }
0xb7: {  	s10 =	simm.s32 $0xB080  }
0xb8: {  	[tilespmem:s10], [sflag:$0x2] =	stream.indirect_vreg.gather [hbm4b:s6+s2], $0x80, v3, vm0, $0xb8;
	[tilespmem:$0x10080] =	vst v63  }
0xb9: {  	s23 =	simm.s32 $0xB880  }
0xba: {  	[tilespmem:s23], [sflag:$0x2] =	stream.indirect_vreg.gather [hbm4b:s7+s2], $0x80, v3, vm0, $0xb8;
	[tilespmem:$0x10080] =	vst v63  }
0xbb: {  	v3 =	vld [tilespmem:$0x70];
	_ =	sdelay $0x4  }
0xbc: {  	v63 =	vshll.u32 v3, $0x3  }
0xbd: {  	v3 =	vand.u32 $0x7, v3;
	v4 =	vand.u32 $0xFFFFFFC0, v63  }
0xbe: {  	v3 =	vor.u32 v3, v4  }
0xbf: {  	v4 =	vperm.xlane v3, v0;
	_ =	sdelay $0x1  }
0xc0: {  	v4 =	vadd.s32 v1, v4;
	_ =	sdelay $0x3  }
0xc1: {  	s10 =	simm.s32 $0xC080  }
0xc2: {  	[tilespmem:s10], [sflag:$0x2] =	stream.indirect_vreg.gather [hbm4b:s3+s2], $0x80, v4, vm0, $0xb8;
	[tilespmem:$0x10080] =	vst v63  }
0xc3: {  	s23 =	simm.s32 $0xC880;
	v3 =	vperm.xlane v3, v2  }
0xc4: {  	[tilespmem:s23], [sflag:$0x2] =	stream.indirect_vreg.gather [hbm4b:s5+s2], $0x80, v4, vm0, $0xb8;
	[tilespmem:$0x10080] =	vst v63  }
0xc5: {  	v3 =	vadd.s32 v1, v3;
	s10 =	simm.s32 $0xD080  }
0xc6: {  	[tilespmem:s10], [sflag:$0x2] =	stream.indirect_vreg.gather [hbm4b:s6+s2], $0x80, v4, vm0, $0xb8;
	[tilespmem:$0x10080] =	vst v63  }
0xc7: {  	s23 =	simm.s32 $0xD880  }
0xc8: {  	[tilespmem:s23], [sflag:$0x2] =	stream.indirect_vreg.gather [hbm4b:s7+s2], $0x80, v4, vm0, $0xb8;
	[tilespmem:$0x10080] =	vst v63  }
0xc9: {  	s10 =	simm.s32 $0xE080  }
0xca: {  	[tilespmem:s10], [sflag:$0x2] =	stream.indirect_vreg.gather [hbm4b:s3+s2], $0x80, v3, vm0, $0xb8;
	[tilespmem:$0x10080] =	vst v63  }
0xcb: {  	s23 =	simm.s32 $0xE880  }
0xcc: {  	[tilespmem:s23], [sflag:$0x2] =	stream.indirect_vreg.gather [hbm4b:s5+s2], $0x80, v3, vm0, $0xb8;
	[tilespmem:$0x10080] =	vst v63  }
0xcd: {  	s10 =	simm.s32 $0xF080  }
0xce: {  	[tilespmem:s10], [sflag:$0x2] =	stream.indirect_vreg.gather [hbm4b:s6+s2], $0x80, v3, vm0, $0xb8;
	[tilespmem:$0x10080] =	vst v63  }
0xcf: {  	s23 =	simm.s32 $0xF880  }
0xd0: {  	[tilespmem:s23], [sflag:$0x2] =	stream.indirect_vreg.gather [hbm4b:s7+s2], $0x80, v3, vm0, $0xb8;
	[tilespmem:$0x10080] =	vst v63  }
0xd1: {  	_ =	swait.ge [sflag:s9], $0x8000  }
0xd2: {  	[sflag:s9] =	ssyncset.done $0x0  }
0xd3: {  	s0 =	rddreg [dreg:$0x5];
	[sflag:s9] =	ssyncadd.s32 $0xFFFF8000  }
0xd4: {  	[hbm4b:s0+s2] =	stream.linear.scatter [tilespmem:s26], [sflag:$0x3], $0x8000, $0x38;
	[tilespmem:$0x10080] =	vst v63  }
0xd5: {  	_ =	swait.ge [sflag:s4], $0x8000  }
0xd6: {  	[sflag:s4] =	ssyncset.done $0x0  }
0xd7: {  	s10 =	rddreg [dreg:$0x6];
	[sflag:s4] =	ssyncadd.s32 $0xFFFF8000  }
0xd8: {  	[hbm4b:s10+s2] =	stream.linear.scatter [tilespmem:s20], [sflag:$0x4], $0x8000, $0x38;
	[tilespmem:$0x10080] =	vst v63  }
0xd9: {  	p0 =	sne.s32 s8, $0x1;
	_ =	swait.ge [sflag:s21], $0x8000  }
.Ltmp0:
0xda: {  	[sflag:s21] =	ssyncset.done $0x0;
	(pc) =	sbr.rel @p0 .LBB2_1-.Ltmp0, $4  }
0xdb: {  	[sflag:s21] =	ssyncadd.s32 $0xFFFF8000  }
0xdc: {  	_ =	swait.ge [sflag:s22], $0x8000  }
0xdd: {  	[sflag:s22] =	ssyncset.done $0x0  }
0xde: {  	s8 =	sadd.s32 $0xFFFFFFFF, s8;
	[sflag:s22] =	ssyncadd.s32 $0xFFFF8000  }
0xdf: {  	_ =	sfence.sel $0x180000  }
0xe0: {  	[bflag:$0x0] =	sbarrier.arrive $0xFFFF  }
0xe1: {  	_ =	strace $0x9000004A  }
0xe2: {  	s0 =	stileid.u32;
	[bflag:$0x2] =	sbarrier.arrive $0xFFFF  }
0xe3: {  	p0 =	sne.s32 s0, $0x0;
	s0 =	rddreg [dreg:$0x2]  }
0xe4: {  	s0 =	sadd.s32 @!p0 $0x100000, s0  }
0xe5: {  	[sflag:s0] =	ssyncadd.tile.s32 @!p0 $0x1;
	_ =	shalt  }
.Lfunc_end2:
_tile_overlayer_lowered:
.L_overlay_start_2:
0xe6: {  	(tag) =	ssettag $0x2  }
0xe7: {  	s0 =	rddreg [dreg:$0x0];
	s2 =	stileid.u32  }
0xe8: {  	s1 =	rddreg [dreg:$0x1];
	p0 =	sne.s32 s2, $0x0  }
0xe9: {  	s3 =	rddreg [dreg:$0x2];
	[bflag:$0x3] =	sbarrier.arrive $0xFFFF;
	s2 =	simm.s32 @!p0 $0x1C05  }
0xea: {  	[timem:s3], [sflag:s2] =	dma.local @!p0 [hbm:s0], s1  }
0xeb: {  	s0 =	simm.s32 @!p0 $0x5  }
0xec: {  	_ =	swait.ge @!p0 [sflag:s0], s1  }
0xed: {  	s1 =	ssub.s32 @!p0 $0x0, s1;
	[sflag:s0] =	ssyncset.done @!p0 $0x0  }
0xee: {  	[sflag:s0] =	ssyncadd.s32 @!p0 s1  }
0xef: {  	[bflag:$0x3] =	sbarrier.arrive $0xFFFF  }
0xf0: {  	_ =	shalt  }

</sc_bundles>
